<compile_context>
chip_gen: v7x
topology: tpu7x:2x2x1
jax: 0.10.2.dev20260603
libtpu: 0.0.44.dev20260713+nightly
codegen_flags: <defaults>
</compile_context>

<pallas_src>
import functools

import jax
import jax.numpy as jnp
from jax import lax
from jax.experimental import pallas as pl
from jax.experimental.pallas import tpu as pltpu
from jax.experimental.pallas import tpu_sc as plsc

DIM = 1024
HIDDEN = 2048
N_EXPERTS = 8
T = 2048
NPAIR = 2 * T
TILE_M = 256
N_TILES = NPAIR // TILE_M + N_EXPERTS
P = N_TILES * TILE_M
NC, NS = 2, 16
NW = NC * NS
CH = 32
CT = 16


def _route_body(x_ref, gate_ref, pos_ref, wgt_ref, te_ref):
    x = x_ref[...]
    logits = lax.dot_general(x, gate_ref[...], (((1,), (1,)), ((), ())),
                             preferred_element_type=jnp.float32)
    ei = lax.broadcasted_iota(jnp.int32, (T, N_EXPERTS), 1)
    m1 = jnp.max(logits, axis=1, keepdims=True)
    i1 = jnp.min(jnp.where(logits == m1, ei, N_EXPERTS), axis=1, keepdims=True)
    masked = jnp.where(ei == i1, -jnp.inf, logits)
    m2 = jnp.max(masked, axis=1, keepdims=True)
    i2 = jnp.min(jnp.where(masked == m2, ei, N_EXPERTS), axis=1, keepdims=True)
    w0 = jax.nn.sigmoid(m1 - m2)

    sel = jnp.concatenate([i1, i2], axis=0)
    ei2 = lax.broadcasted_iota(jnp.int32, (NPAIR, N_EXPERTS), 1)
    onehot = (ei2 == sel).astype(jnp.int32)
    csum = onehot
    sh = 1
    while sh < NPAIR:
        csum = csum + jnp.concatenate(
            [jnp.zeros((sh, N_EXPERTS), jnp.int32), csum[:NPAIR - sh, :]], axis=0)
        sh *= 2
    counts = csum[NPAIR - 1:NPAIR, :]
    rank = jnp.sum(onehot * csum, axis=1, keepdims=True) - 1
    padded = ((counts + TILE_M - 1) // TILE_M) * TILE_M
    padf = padded.astype(jnp.float32)
    r8 = lax.broadcasted_iota(jnp.int32, (N_EXPERTS, N_EXPERTS), 0)
    c8 = lax.broadcasted_iota(jnp.int32, (N_EXPERTS, N_EXPERTS), 1)
    lt = (r8 < c8).astype(jnp.float32)
    starts = lax.dot_general(padf, lt, (((1,), (0,)), ((), ())),
                             precision=lax.Precision.HIGHEST)
    ends = starts + padf
    eye = (r8 == c8).astype(jnp.float32)
    ends_col = lax.dot_general(eye, ends, (((1,), (1,)), ((), ())),
                               precision=lax.Precision.HIGHEST)
    jt = (lax.broadcasted_iota(jnp.int32, (N_EXPERTS, 128), 1) * TILE_M
          ).astype(jnp.float32)
    te = jnp.sum((ends_col <= jt).astype(jnp.int32), axis=0, keepdims=True)
    te_ref[...] = jnp.minimum(te, N_EXPERTS - 1)

    starts_pair = jnp.sum(onehot.astype(jnp.float32) * starts, axis=1,
                          keepdims=True)
    pos_ref[...] = starts_pair.astype(jnp.int32) + rank
    wpair = jnp.concatenate([w0, 1.0 - w0], axis=0)
    wgt_ref[...] = jnp.broadcast_to(wpair, (NPAIR, 16))


def _route(x, gate_w):
    return pl.pallas_call(
        _route_body,
        out_shape=[
            jax.ShapeDtypeStruct((NPAIR, 1), jnp.int32),
            jax.ShapeDtypeStruct((NPAIR, 16), jnp.float32),
            jax.ShapeDtypeStruct((1, 128), jnp.int32),
        ],
    )(x, gate_w)


NCH_G = NPAIR // NW // CH


def _gather_body(tok_hbm, pos_hbm, x_hbm, xs_hbm, tok_v, pos_v,
                 buf0, buf1, sg0, sg1, ss0, ss1):
    wid = lax.axis_index("s") * NC + lax.axis_index("c")
    pltpu.sync_copy(tok_hbm.at[wid], tok_v)
    pltpu.sync_copy(pos_hbm.at[wid], pos_v)
    bufs = (buf0, buf1)
    gsem = (sg0, sg1)
    ssem = (ss0, ss1)
    scat = [None] * NCH_G
    gath = [None] * NCH_G
    gath[0] = pltpu.async_copy(x_hbm.at[tok_v.at[0]], bufs[0], gsem[0])
    gath[1] = pltpu.async_copy(x_hbm.at[tok_v.at[1]], bufs[1], gsem[1])
    gath[0].wait()
    scat[0] = pltpu.async_copy(bufs[0], xs_hbm.at[pos_v.at[0]], ssem[0])
    gath[1].wait()
    scat[1] = pltpu.async_copy(bufs[1], xs_hbm.at[pos_v.at[1]], ssem[1])
    for c in range(2, NCH_G):
        b = c % 2
        scat[c - 2].wait()
        gath[c] = pltpu.async_copy(x_hbm.at[tok_v.at[c]], bufs[b], gsem[b])
        gath[c].wait()
        scat[c] = pltpu.async_copy(bufs[b], xs_hbm.at[pos_v.at[c]], ssem[b])
    for c in range(max(0, NCH_G - 2), NCH_G):
        scat[c].wait()


def _gather(tok3d, pos3d, x):
    return pl.kernel(
        _gather_body,
        out_type=jax.ShapeDtypeStruct((P, DIM), jnp.float32),
        mesh=plsc.VectorSubcoreMesh(core_axis_name="c", subcore_axis_name="s"),
        scratch_types=[
            pltpu.VMEM((NCH_G, CH), jnp.int32),
            pltpu.VMEM((NCH_G, CH), jnp.int32),
            pltpu.VMEM((CH, DIM), jnp.float32),
            pltpu.VMEM((CH, DIM), jnp.float32),
            pltpu.SemaphoreType.DMA,
            pltpu.SemaphoreType.DMA,
            pltpu.SemaphoreType.DMA,
            pltpu.SemaphoreType.DMA,
        ],
    )(tok3d, pos3d, x)


def _ffn_body(te_ref, xs_ref, w1_ref, w3_ref, w2_ref, ys_ref):
    xb = xs_ref[...].astype(jnp.bfloat16)
    h1 = lax.dot_general(xb, w1_ref[0], (((1,), (1,)), ((), ())),
                         preferred_element_type=jnp.float32)
    h3 = lax.dot_general(xb, w3_ref[0], (((1,), (1,)), ((), ())),
                         preferred_element_type=jnp.float32)
    h = (h1 * jax.nn.sigmoid(h1) * h3).astype(jnp.bfloat16)
    ys_ref[...] = lax.dot_general(h, w2_ref[0], (((1,), (1,)), ((), ())),
                                  preferred_element_type=jnp.float32)


def _ffn(te, xs, w1b, w3b, w2b):
    grid_spec = pltpu.PrefetchScalarGridSpec(
        num_scalar_prefetch=1,
        grid=(N_TILES,),
        in_specs=[
            pl.BlockSpec((TILE_M, DIM), lambda j, te: (j, 0)),
            pl.BlockSpec((1, HIDDEN, DIM), lambda j, te: (te[j], 0, 0)),
            pl.BlockSpec((1, HIDDEN, DIM), lambda j, te: (te[j], 0, 0)),
            pl.BlockSpec((1, DIM, HIDDEN), lambda j, te: (te[j], 0, 0)),
        ],
        out_specs=pl.BlockSpec((TILE_M, DIM), lambda j, te: (j, 0)),
    )
    return pl.pallas_call(
        _ffn_body,
        grid_spec=grid_spec,
        out_shape=jax.ShapeDtypeStruct((P, DIM), jnp.float32),
        compiler_params=pltpu.CompilerParams(
            dimension_semantics=("arbitrary",)),
    )(te, xs, w1b, w3b, w2b)


TPW = T // NW
NCH_C = TPW // CT


def _combine_body(pa_hbm, pb_hbm, wa_hbm, wb_hbm, ys_hbm, out_hbm,
                  pa_v, pb_v, wa_v, wb_v, ya0, ya1, yb0, yb1, o0, o1,
                  sa0, sa1, sb0, sb1, so0, so1):
    wid = lax.axis_index("s") * NC + lax.axis_index("c")
    pltpu.sync_copy(pa_hbm.at[wid], pa_v)
    pltpu.sync_copy(pb_hbm.at[wid], pb_v)
    pltpu.sync_copy(wa_hbm.at[wid], wa_v)
    pltpu.sync_copy(wb_hbm.at[wid], wb_v)
    yas = (ya0, ya1)
    ybs = (yb0, yb1)
    os_ = (o0, o1)
    sas = (sa0, sa1)
    sbs = (sb0, sb1)
    sos = (so0, so1)
    ga = [None] * NCH_C
    gb = [None] * NCH_C
    st = [None] * NCH_C

    def start_gathers(c):
        b = c % 2
        ga[c] = pltpu.async_copy(ys_hbm.at[pa_v.at[c]], yas[b], sas[b])
        gb[c] = pltpu.async_copy(ys_hbm.at[pb_v.at[c]], ybs[b], sbs[b])

    start_gathers(0)
    start_gathers(1)
    for c in range(NCH_C):
        b = c % 2
        ga[c].wait()
        gb[c].wait()
        if c >= 2:
            st[c - 2].wait()
        ya_v, yb_v, o_v = yas[b], ybs[b], os_[b]

        def tok_body(tk, _):
            wa = wa_v[c * CT + tk, :]
            wb = wb_v[c * CT + tk, :]

            def j_body(j, _):
                a = ya_v[tk, pl.ds(j * 16, 16)]
                bv = yb_v[tk, pl.ds(j * 16, 16)]
                o_v[tk, pl.ds(j * 16, 16)] = wa * a + wb * bv
                return 0

            lax.fori_loop(0, DIM // 16, j_body, 0, unroll=8)
            return 0

        lax.fori_loop(0, CT, tok_body, 0)
        base = wid * TPW + c * CT
        st[c] = pltpu.async_copy(o_v, out_hbm.at[pl.ds(base, CT)], sos[b])
        if c + 2 < NCH_C:
            start_gathers(c + 2)
    for c in range(max(0, NCH_C - 2), NCH_C):
        st[c].wait()


def _combine(pa3, pb3, wa3, wb3, ys):
    return pl.kernel(
        _combine_body,
        out_type=jax.ShapeDtypeStruct((T, DIM), jnp.float32),
        mesh=plsc.VectorSubcoreMesh(core_axis_name="c", subcore_axis_name="s"),
        scratch_types=[
            pltpu.VMEM((NCH_C, CT), jnp.int32),
            pltpu.VMEM((NCH_C, CT), jnp.int32),
            pltpu.VMEM((TPW, 16), jnp.float32),
            pltpu.VMEM((TPW, 16), jnp.float32),
            pltpu.VMEM((CT, DIM), jnp.float32),
            pltpu.VMEM((CT, DIM), jnp.float32),
            pltpu.VMEM((CT, DIM), jnp.float32),
            pltpu.VMEM((CT, DIM), jnp.float32),
            pltpu.VMEM((CT, DIM), jnp.float32),
            pltpu.VMEM((CT, DIM), jnp.float32),
            pltpu.SemaphoreType.DMA,
            pltpu.SemaphoreType.DMA,
            pltpu.SemaphoreType.DMA,
            pltpu.SemaphoreType.DMA,
            pltpu.SemaphoreType.DMA,
            pltpu.SemaphoreType.DMA,
        ],
    )(pa3, pb3, wa3, wb3, ys)


@jax.jit
def kernel(x, gate_w, w1, w2, w3):
    w1b = w1.astype(jnp.bfloat16)
    w3b = w3.astype(jnp.bfloat16)
    w2b = w2.astype(jnp.bfloat16)
    pos2, wgt, te128 = _route(x, gate_w)
    pos = pos2.reshape(NPAIR)
    te = te128[0, :N_TILES]
    tok = jnp.concatenate([jnp.arange(T, dtype=jnp.int32)] * 2)
    xs = _gather(tok.reshape(NW, NCH_G, CH), pos.reshape(NW, NCH_G, CH), x)
    ys = _ffn(te, xs, w1b, w3b, w2b)
    return ys[:T, :]

# --- scband reference (transcript-rebuilt; emitter-appended) ---
"""Pipeline reference for scband-feed-forward-62818191671512 (READ-ONLY COPY).

The authoritative reference and input builder live on the scoring server;
editing this copy changes nothing except your own understanding.
"""

import jax, jax.numpy as jnp
import numpy as np

DIM = 1024
HIDDEN = 2048
N_EXPERTS = 8
TOP_K = 2
T = 2048


def setup_inputs(seed: int = 0) -> dict:
    key = jax.random.key(seed)
    ks = jax.random.split(key, 5)
    x = jax.random.normal(ks[0], (T, DIM), dtype=jnp.float32)
    gate_w = jax.random.normal(ks[1], (N_EXPERTS, DIM), dtype=jnp.float32) * 0.02
    w1 = jax.random.normal(ks[2], (N_EXPERTS, HIDDEN, DIM), dtype=jnp.float32) * 0.02
    w2 = jax.random.normal(ks[3], (N_EXPERTS, DIM, HIDDEN), dtype=jnp.float32) * 0.02
    w3 = jax.random.normal(ks[4], (N_EXPERTS, HIDDEN, DIM), dtype=jnp.float32) * 0.02
    return {"x": x, "gate_w": gate_w, "w1": w1, "w2": w2, "w3": w3}


def reference(x, gate_w, w1, w2, w3):
    # gate: g = softmax(x @ gate_w.T)
    g = x @ gate_w.T
    g = jax.nn.softmax(g, axis=-1)
    # top-2 routing (hardcoded k=2 in the torch module)
    weights, expert_indices = jax.lax.top_k(g, TOP_K)
    weights = weights / jnp.sum(weights, axis=-1, keepdims=True)
    # dense combine weights [T, E]: nonzero only at selected experts
    tok = jnp.arange(x.shape[0])[:, None]
    cw = jnp.zeros((x.shape[0], N_EXPERTS), dtype=x.dtype).at[tok, expert_indices].add(weights)
    # expert FFN: w2(silu(w1 x) * (w3 x)) for each expert, combined by cw
    h1 = jnp.einsum('td,ehd->teh', x, w1)
    h3 = jnp.einsum('td,ehd->teh', x, w3)
    h = jax.nn.silu(h1) * h3
    y = jnp.einsum('teh,edh->ted', h, w2)
    out = jnp.einsum('te,ted->td', cw, y)
    return out

if __name__ == "__main__":
    import jax
    _d = setup_inputs()
    print(jax.jit(kernel)(*tuple(_d.values())))

</pallas_src>

<mosaic_0001>
#map = affine_map<(d0, d1) -> (0, 0, 0)>
#map1 = affine_map<(d0, d1) -> (0, 0)>
module attributes {stable_mosaic.version = 14 : i64} {
  func.func @_gather_body(%arg0: i32, %arg1: i32, %arg2: memref<32x4x32xi32, #tpu.memory_space<hbm>>, %arg3: memref<32x4x32xi32, #tpu.memory_space<hbm>>, %arg4: memref<2048x1024xf32, #tpu.memory_space<hbm>>, %arg5: memref<6144x1024xf32, #tpu.memory_space<hbm>>, %arg6: memref<4x32xi32, #tpu.memory_space<vmem>>, %arg7: memref<4x32xi32, #tpu.memory_space<vmem>>, %arg8: memref<32x1024xf32, #tpu.memory_space<vmem>>, %arg9: memref<32x1024xf32, #tpu.memory_space<vmem>>, %arg10: memref<!tpu.dma_semaphore, #tpu.memory_space<semaphore_mem>>, %arg11: memref<!tpu.dma_semaphore, #tpu.memory_space<semaphore_mem>>, %arg12: memref<!tpu.dma_semaphore, #tpu.memory_space<semaphore_mem>>, %arg13: memref<!tpu.dma_semaphore, #tpu.memory_space<semaphore_mem>>) attributes {dimension_semantics = [#tpu.dimension_semantics<core_parallel>, #tpu.dimension_semantics<subcore_parallel>], iteration_bounds = array<i64: 2, 16>, scalar_prefetch = 0 : i64, scratch_operands = 8 : i64, tpu.core_type = #tpu.core_type<sc_vector_subcore>, window_params = [{transform_indices = #map}, {transform_indices = #map}, {transform_indices = #map1}, {transform_indices = #map1}]} {
    %mul3A = arith.constant 2 : i32
    %mul3A_0 = arith.muli %arg1, %mul3A : i32
    %add3A = arith.addi %mul3A_0, %arg0 : i32
    "tpu.region"() ({
      %run_scoped3A = tpu.sem_alloc : memref<!tpu.dma_semaphore, #tpu.memory_space<semaphore_mem>>
      %dma_start3A_111 = arith.constant 0 : i32
      %dma_start3A_112 = arith.constant 0 : i32
      %dma_start3A_113 = tpu.memref_slice %arg2[%add3A, %dma_start3A_111, %dma_start3A_112] : memref<32x4x32xi32, #tpu.memory_space<hbm>> -> memref<1x4x32xi32, #tpu.memory_space<hbm>>
      %dma_start3A_114 = tpu.memref_squeeze %dma_start3A_113 : memref<1x4x32xi32, #tpu.memory_space<hbm>> -> memref<4x32xi32, #tpu.memory_space<hbm>>
      %dma_start3A_115 = arith.constant 0 : i32
      %dma_start3A_116 = arith.constant 0 : i32
      %dma_start3A_117 = tpu.memref_slice %arg2[%add3A, %dma_start3A_115, %dma_start3A_116] : memref<32x4x32xi32, #tpu.memory_space<hbm>> -> memref<1x4x32xi32, #tpu.memory_space<hbm>>
      %dma_start3A_118 = tpu.memref_squeeze %dma_start3A_117 : memref<1x4x32xi32, #tpu.memory_space<hbm>> -> memref<4x32xi32, #tpu.memory_space<hbm>>
      tpu.enqueue_dma source(%dma_start3A_118 : memref<4x32xi32, #tpu.memory_space<hbm>>) target(%arg6 : memref<4x32xi32, #tpu.memory_space<vmem>>) target_semaphore(%run_scoped3A : memref<!tpu.dma_semaphore, #tpu.memory_space<semaphore_mem>>)
      %dma_wait3A_119 = arith.constant 0 : i32
      %dma_wait3A_120 = arith.constant 0 : i32
      %dma_wait3A_121 = tpu.memref_slice %arg2[%add3A, %dma_wait3A_119, %dma_wait3A_120] : memref<32x4x32xi32, #tpu.memory_space<hbm>> -> memref<1x4x32xi32, #tpu.memory_space<hbm>>
      %dma_wait3A_122 = tpu.memref_squeeze %dma_wait3A_121 : memref<1x4x32xi32, #tpu.memory_space<hbm>> -> memref<4x32xi32, #tpu.memory_space<hbm>>
      %dma_wait3A_123 = arith.constant 0 : i32
      %dma_wait3A_124 = arith.constant 0 : i32
      %dma_wait3A_125 = tpu.memref_slice %arg2[%add3A, %dma_wait3A_123, %dma_wait3A_124] : memref<32x4x32xi32, #tpu.memory_space<hbm>> -> memref<1x4x32xi32, #tpu.memory_space<hbm>>
      %dma_wait3A_126 = tpu.memref_squeeze %dma_wait3A_125 : memref<1x4x32xi32, #tpu.memory_space<hbm>> -> memref<4x32xi32, #tpu.memory_space<hbm>>
      tpu.wait_dma2 semaphore(%run_scoped3A : memref<!tpu.dma_semaphore, #tpu.memory_space<semaphore_mem>>) src(%dma_wait3A_126 : memref<4x32xi32, #tpu.memory_space<hbm>>) dst(%arg6 : memref<4x32xi32, #tpu.memory_space<vmem>>)
      tpu.yield
    }) : () -> ()
    "tpu.region"() ({
      %run_scoped3A = tpu.sem_alloc : memref<!tpu.dma_semaphore, #tpu.memory_space<semaphore_mem>>
      %dma_start3A_111 = arith.constant 0 : i32
      %dma_start3A_112 = arith.constant 0 : i32
      %dma_start3A_113 = tpu.memref_slice %arg3[%add3A, %dma_start3A_111, %dma_start3A_112] : memref<32x4x32xi32, #tpu.memory_space<hbm>> -> memref<1x4x32xi32, #tpu.memory_space<hbm>>
      %dma_start3A_114 = tpu.memref_squeeze %dma_start3A_113 : memref<1x4x32xi32, #tpu.memory_space<hbm>> -> memref<4x32xi32, #tpu.memory_space<hbm>>
      %dma_start3A_115 = arith.constant 0 : i32
      %dma_start3A_116 = arith.constant 0 : i32
      %dma_start3A_117 = tpu.memref_slice %arg3[%add3A, %dma_start3A_115, %dma_start3A_116] : memref<32x4x32xi32, #tpu.memory_space<hbm>> -> memref<1x4x32xi32, #tpu.memory_space<hbm>>
      %dma_start3A_118 = tpu.memref_squeeze %dma_start3A_117 : memref<1x4x32xi32, #tpu.memory_space<hbm>> -> memref<4x32xi32, #tpu.memory_space<hbm>>
      tpu.enqueue_dma source(%dma_start3A_118 : memref<4x32xi32, #tpu.memory_space<hbm>>) target(%arg7 : memref<4x32xi32, #tpu.memory_space<vmem>>) target_semaphore(%run_scoped3A : memref<!tpu.dma_semaphore, #tpu.memory_space<semaphore_mem>>)
      %dma_wait3A_119 = arith.constant 0 : i32
      %dma_wait3A_120 = arith.constant 0 : i32
      %dma_wait3A_121 = tpu.memref_slice %arg3[%add3A, %dma_wait3A_119, %dma_wait3A_120] : memref<32x4x32xi32, #tpu.memory_space<hbm>> -> memref<1x4x32xi32, #tpu.memory_space<hbm>>
      %dma_wait3A_122 = tpu.memref_squeeze %dma_wait3A_121 : memref<1x4x32xi32, #tpu.memory_space<hbm>> -> memref<4x32xi32, #tpu.memory_space<hbm>>
      %dma_wait3A_123 = arith.constant 0 : i32
      %dma_wait3A_124 = arith.constant 0 : i32
      %dma_wait3A_125 = tpu.memref_slice %arg3[%add3A, %dma_wait3A_123, %dma_wait3A_124] : memref<32x4x32xi32, #tpu.memory_space<hbm>> -> memref<1x4x32xi32, #tpu.memory_space<hbm>>
      %dma_wait3A_126 = tpu.memref_squeeze %dma_wait3A_125 : memref<1x4x32xi32, #tpu.memory_space<hbm>> -> memref<4x32xi32, #tpu.memory_space<hbm>>
      tpu.wait_dma2 semaphore(%run_scoped3A : memref<!tpu.dma_semaphore, #tpu.memory_space<semaphore_mem>>) src(%dma_wait3A_126 : memref<4x32xi32, #tpu.memory_space<hbm>>) dst(%arg7 : memref<4x32xi32, #tpu.memory_space<vmem>>)
      tpu.yield
    }) : () -> ()
    %dma_start3A = arith.constant 0 : i32
    %dma_start3A_1 = arith.constant 0 : i32
    %dma_start3A_2 = tpu.memref_slice %arg6[%dma_start3A, %dma_start3A_1] : memref<4x32xi32, #tpu.memory_space<vmem>> -> memref<1x32xi32, #tpu.memory_space<vmem>>
    %dma_start3A_3 = tpu.memref_squeeze %dma_start3A_2 : memref<1x32xi32, #tpu.memory_space<vmem>> -> memref<32xi32, #tpu.memory_space<vmem>>
    %dma_start3A_4 = arith.constant 0 : i32
    %dma_start3A_5 = arith.constant 0 : i32
    %dma_start3A_6 = tpu.memref_slice %arg4[%dma_start3A_4, %dma_start3A_5] : memref<2048x1024xf32, #tpu.memory_space<hbm>> -> memref<2048x1024xf32, #tpu.memory_space<hbm>>
    tpu.enqueue_indirect_dma source(%dma_start3A_6 : memref<2048x1024xf32, #tpu.memory_space<hbm>>) target(%arg8 : memref<32x1024xf32, #tpu.memory_space<vmem>>) offsets(%dma_start3A_3 : memref<32xi32, #tpu.memory_space<vmem>>) semaphore(%arg10 : memref<!tpu.dma_semaphore, #tpu.memory_space<semaphore_mem>>)
    %dma_start3A_7 = arith.constant 1 : i32
    %dma_start3A_8 = arith.constant 0 : i32
    %dma_start3A_9 = tpu.memref_slice %arg6[%dma_start3A_7, %dma_start3A_8] : memref<4x32xi32, #tpu.memory_space<vmem>> -> memref<1x32xi32, #tpu.memory_space<vmem>>
    %dma_start3A_10 = tpu.memref_squeeze %dma_start3A_9 : memref<1x32xi32, #tpu.memory_space<vmem>> -> memref<32xi32, #tpu.memory_space<vmem>>
    %dma_start3A_11 = arith.constant 0 : i32
    %dma_start3A_12 = arith.constant 0 : i32
    %dma_start3A_13 = tpu.memref_slice %arg4[%dma_start3A_11, %dma_start3A_12] : memref<2048x1024xf32, #tpu.memory_space<hbm>> -> memref<2048x1024xf32, #tpu.memory_space<hbm>>
    tpu.enqueue_indirect_dma source(%dma_start3A_13 : memref<2048x1024xf32, #tpu.memory_space<hbm>>) target(%arg9 : memref<32x1024xf32, #tpu.memory_space<vmem>>) offsets(%dma_start3A_10 : memref<32xi32, #tpu.memory_space<vmem>>) semaphore(%arg11 : memref<!tpu.dma_semaphore, #tpu.memory_space<semaphore_mem>>)
    %dma_wait3A = arith.constant 0 : i32
    %dma_wait3A_14 = arith.constant 0 : i32
    %dma_wait3A_15 = tpu.memref_slice %arg6[%dma_wait3A, %dma_wait3A_14] : memref<4x32xi32, #tpu.memory_space<vmem>> -> memref<1x32xi32, #tpu.memory_space<vmem>>
    %dma_wait3A_16 = tpu.memref_squeeze %dma_wait3A_15 : memref<1x32xi32, #tpu.memory_space<vmem>> -> memref<32xi32, #tpu.memory_space<vmem>>
    %dma_wait3A_17 = arith.constant 0 : i32
    %dma_wait3A_18 = arith.constant 0 : i32
    %dma_wait3A_19 = tpu.memref_slice %arg4[%dma_wait3A_17, %dma_wait3A_18] : memref<2048x1024xf32, #tpu.memory_space<hbm>> -> memref<2048x1024xf32, #tpu.memory_space<hbm>>
    tpu.wait_indirect_dma semaphore(%arg10 : memref<!tpu.dma_semaphore, #tpu.memory_space<semaphore_mem>>) src(%dma_wait3A_19 : memref<2048x1024xf32, #tpu.memory_space<hbm>>) dst(%arg8 : memref<32x1024xf32, #tpu.memory_space<vmem>>)
    %dma_start3A_20 = arith.constant 0 : i32
    %dma_start3A_21 = arith.constant 0 : i32
    %dma_start3A_22 = tpu.memref_slice %arg7[%dma_start3A_20, %dma_start3A_21] : memref<4x32xi32, #tpu.memory_space<vmem>> -> memref<1x32xi32, #tpu.memory_space<vmem>>
    %dma_start3A_23 = tpu.memref_squeeze %dma_start3A_22 : memref<1x32xi32, #tpu.memory_space<vmem>> -> memref<32xi32, #tpu.memory_space<vmem>>
    %dma_start3A_24 = arith.constant 0 : i32
    %dma_start3A_25 = arith.constant 0 : i32
    %dma_start3A_26 = tpu.memref_slice %arg5[%dma_start3A_24, %dma_start3A_25] : memref<6144x1024xf32, #tpu.memory_space<hbm>> -> memref<6144x1024xf32, #tpu.memory_space<hbm>>
    tpu.enqueue_indirect_dma source(%arg8 : memref<32x1024xf32, #tpu.memory_space<vmem>>) target(%dma_start3A_26 : memref<6144x1024xf32, #tpu.memory_space<hbm>>) offsets(%dma_start3A_23 : memref<32xi32, #tpu.memory_space<vmem>>) semaphore(%arg12 : memref<!tpu.dma_semaphore, #tpu.memory_space<semaphore_mem>>)
    %dma_wait3A_27 = arith.constant 1 : i32
    %dma_wait3A_28 = arith.constant 0 : i32
    %dma_wait3A_29 = tpu.memref_slice %arg6[%dma_wait3A_27, %dma_wait3A_28] : memref<4x32xi32, #tpu.memory_space<vmem>> -> memref<1x32xi32, #tpu.memory_space<vmem>>
    %dma_wait3A_30 = tpu.memref_squeeze %dma_wait3A_29 : memref<1x32xi32, #tpu.memory_space<vmem>> -> memref<32xi32, #tpu.memory_space<vmem>>
    %dma_wait3A_31 = arith.constant 0 : i32
    %dma_wait3A_32 = arith.constant 0 : i32
    %dma_wait3A_33 = tpu.memref_slice %arg4[%dma_wait3A_31, %dma_wait3A_32] : memref<2048x1024xf32, #tpu.memory_space<hbm>> -> memref<2048x1024xf32, #tpu.memory_space<hbm>>
    tpu.wait_indirect_dma semaphore(%arg11 : memref<!tpu.dma_semaphore, #tpu.memory_space<semaphore_mem>>) src(%dma_wait3A_33 : memref<2048x1024xf32, #tpu.memory_space<hbm>>) dst(%arg9 : memref<32x1024xf32, #tpu.memory_space<vmem>>)
    %dma_start3A_34 = arith.constant 1 : i32
    %dma_start3A_35 = arith.constant 0 : i32
    %dma_start3A_36 = tpu.memref_slice %arg7[%dma_start3A_34, %dma_start3A_35] : memref<4x32xi32, #tpu.memory_space<vmem>> -> memref<1x32xi32, #tpu.memory_space<vmem>>
    %dma_start3A_37 = tpu.memref_squeeze %dma_start3A_36 : memref<1x32xi32, #tpu.memory_space<vmem>> -> memref<32xi32, #tpu.memory_space<vmem>>
    %dma_start3A_38 = arith.constant 0 : i32
    %dma_start3A_39 = arith.constant 0 : i32
    %dma_start3A_40 = tpu.memref_slice %arg5[%dma_start3A_38, %dma_start3A_39] : memref<6144x1024xf32, #tpu.memory_space<hbm>> -> memref<6144x1024xf32, #tpu.memory_space<hbm>>
    tpu.enqueue_indirect_dma source(%arg9 : memref<32x1024xf32, #tpu.memory_space<vmem>>) target(%dma_start3A_40 : memref<6144x1024xf32, #tpu.memory_space<hbm>>) offsets(%dma_start3A_37 : memref<32xi32, #tpu.memory_space<vmem>>) semaphore(%arg13 : memref<!tpu.dma_semaphore, #tpu.memory_space<semaphore_mem>>)
    %dma_wait3A_41 = arith.constant 0 : i32
    %dma_wait3A_42 = arith.constant 0 : i32
    %dma_wait3A_43 = tpu.memref_slice %arg7[%dma_wait3A_41, %dma_wait3A_42] : memref<4x32xi32, #tpu.memory_space<vmem>> -> memref<1x32xi32, #tpu.memory_space<vmem>>
    %dma_wait3A_44 = tpu.memref_squeeze %dma_wait3A_43 : memref<1x32xi32, #tpu.memory_space<vmem>> -> memref<32xi32, #tpu.memory_space<vmem>>
    %dma_wait3A_45 = arith.constant 0 : i32
    %dma_wait3A_46 = arith.constant 0 : i32
    %dma_wait3A_47 = tpu.memref_slice %arg5[%dma_wait3A_45, %dma_wait3A_46] : memref<6144x1024xf32, #tpu.memory_space<hbm>> -> memref<6144x1024xf32, #tpu.memory_space<hbm>>
    tpu.wait_indirect_dma semaphore(%arg12 : memref<!tpu.dma_semaphore, #tpu.memory_space<semaphore_mem>>) src(%arg8 : memref<32x1024xf32, #tpu.memory_space<vmem>>) dst(%dma_wait3A_47 : memref<6144x1024xf32, #tpu.memory_space<hbm>>)
    %dma_start3A_48 = arith.constant 2 : i32
    %dma_start3A_49 = arith.constant 0 : i32
    %dma_start3A_50 = tpu.memref_slice %arg6[%dma_start3A_48, %dma_start3A_49] : memref<4x32xi32, #tpu.memory_space<vmem>> -> memref<1x32xi32, #tpu.memory_space<vmem>>
    %dma_start3A_51 = tpu.memref_squeeze %dma_start3A_50 : memref<1x32xi32, #tpu.memory_space<vmem>> -> memref<32xi32, #tpu.memory_space<vmem>>
    %dma_start3A_52 = arith.constant 0 : i32
    %dma_start3A_53 = arith.constant 0 : i32
    %dma_start3A_54 = tpu.memref_slice %arg4[%dma_start3A_52, %dma_start3A_53] : memref<2048x1024xf32, #tpu.memory_space<hbm>> -> memref<2048x1024xf32, #tpu.memory_space<hbm>>
    tpu.enqueue_indirect_dma source(%dma_start3A_54 : memref<2048x1024xf32, #tpu.memory_space<hbm>>) target(%arg8 : memref<32x1024xf32, #tpu.memory_space<vmem>>) offsets(%dma_start3A_51 : memref<32xi32, #tpu.memory_space<vmem>>) semaphore(%arg10 : memref<!tpu.dma_semaphore, #tpu.memory_space<semaphore_mem>>)
    %dma_wait3A_55 = arith.constant 2 : i32
    %dma_wait3A_56 = arith.constant 0 : i32
    %dma_wait3A_57 = tpu.memref_slice %arg6[%dma_wait3A_55, %dma_wait3A_56] : memref<4x32xi32, #tpu.memory_space<vmem>> -> memref<1x32xi32, #tpu.memory_space<vmem>>
    %dma_wait3A_58 = tpu.memref_squeeze %dma_wait3A_57 : memref<1x32xi32, #tpu.memory_space<vmem>> -> memref<32xi32, #tpu.memory_space<vmem>>
    %dma_wait3A_59 = arith.constant 0 : i32
    %dma_wait3A_60 = arith.constant 0 : i32
    %dma_wait3A_61 = tpu.memref_slice %arg4[%dma_wait3A_59, %dma_wait3A_60] : memref<2048x1024xf32, #tpu.memory_space<hbm>> -> memref<2048x1024xf32, #tpu.memory_space<hbm>>
    tpu.wait_indirect_dma semaphore(%arg10 : memref<!tpu.dma_semaphore, #tpu.memory_space<semaphore_mem>>) src(%dma_wait3A_61 : memref<2048x1024xf32, #tpu.memory_space<hbm>>) dst(%arg8 : memref<32x1024xf32, #tpu.memory_space<vmem>>)
    %dma_start3A_62 = arith.constant 2 : i32
    %dma_start3A_63 = arith.constant 0 : i32
    %dma_start3A_64 = tpu.memref_slice %arg7[%dma_start3A_62, %dma_start3A_63] : memref<4x32xi32, #tpu.memory_space<vmem>> -> memref<1x32xi32, #tpu.memory_space<vmem>>
    %dma_start3A_65 = tpu.memref_squeeze %dma_start3A_64 : memref<1x32xi32, #tpu.memory_space<vmem>> -> memref<32xi32, #tpu.memory_space<vmem>>
    %dma_start3A_66 = arith.constant 0 : i32
    %dma_start3A_67 = arith.constant 0 : i32
    %dma_start3A_68 = tpu.memref_slice %arg5[%dma_start3A_66, %dma_start3A_67] : memref<6144x1024xf32, #tpu.memory_space<hbm>> -> memref<6144x1024xf32, #tpu.memory_space<hbm>>
    tpu.enqueue_indirect_dma source(%arg8 : memref<32x1024xf32, #tpu.memory_space<vmem>>) target(%dma_start3A_68 : memref<6144x1024xf32, #tpu.memory_space<hbm>>) offsets(%dma_start3A_65 : memref<32xi32, #tpu.memory_space<vmem>>) semaphore(%arg12 : memref<!tpu.dma_semaphore, #tpu.memory_space<semaphore_mem>>)
    %dma_wait3A_69 = arith.constant 1 : i32
    %dma_wait3A_70 = arith.constant 0 : i32
    %dma_wait3A_71 = tpu.memref_slice %arg7[%dma_wait3A_69, %dma_wait3A_70] : memref<4x32xi32, #tpu.memory_space<vmem>> -> memref<1x32xi32, #tpu.memory_space<vmem>>
    %dma_wait3A_72 = tpu.memref_squeeze %dma_wait3A_71 : memref<1x32xi32, #tpu.memory_space<vmem>> -> memref<32xi32, #tpu.memory_space<vmem>>
    %dma_wait3A_73 = arith.constant 0 : i32
    %dma_wait3A_74 = arith.constant 0 : i32
    %dma_wait3A_75 = tpu.memref_slice %arg5[%dma_wait3A_73, %dma_wait3A_74] : memref<6144x1024xf32, #tpu.memory_space<hbm>> -> memref<6144x1024xf32, #tpu.memory_space<hbm>>
    tpu.wait_indirect_dma semaphore(%arg13 : memref<!tpu.dma_semaphore, #tpu.memory_space<semaphore_mem>>) src(%arg9 : memref<32x1024xf32, #tpu.memory_space<vmem>>) dst(%dma_wait3A_75 : memref<6144x1024xf32, #tpu.memory_space<hbm>>)
    %dma_start3A_76 = arith.constant 3 : i32
    %dma_start3A_77 = arith.constant 0 : i32
    %dma_start3A_78 = tpu.memref_slice %arg6[%dma_start3A_76, %dma_start3A_77] : memref<4x32xi32, #tpu.memory_space<vmem>> -> memref<1x32xi32, #tpu.memory_space<vmem>>
    %dma_start3A_79 = tpu.memref_squeeze %dma_start3A_78 : memref<1x32xi32, #tpu.memory_space<vmem>> -> memref<32xi32, #tpu.memory_space<vmem>>
    %dma_start3A_80 = arith.constant 0 : i32
    %dma_start3A_81 = arith.constant 0 : i32
    %dma_start3A_82 = tpu.memref_slice %arg4[%dma_start3A_80, %dma_start3A_81] : memref<2048x1024xf32, #tpu.memory_space<hbm>> -> memref<2048x1024xf32, #tpu.memory_space<hbm>>
    tpu.enqueue_indirect_dma source(%dma_start3A_82 : memref<2048x1024xf32, #tpu.memory_space<hbm>>) target(%arg9 : memref<32x1024xf32, #tpu.memory_space<vmem>>) offsets(%dma_start3A_79 : memref<32xi32, #tpu.memory_space<vmem>>) semaphore(%arg11 : memref<!tpu.dma_semaphore, #tpu.memory_space<semaphore_mem>>)
    %dma_wait3A_83 = arith.constant 3 : i32
    %dma_wait3A_84 = arith.constant 0 : i32
    %dma_wait3A_85 = tpu.memref_slice %arg6[%dma_wait3A_83, %dma_wait3A_84] : memref<4x32xi32, #tpu.memory_space<vmem>> -> memref<1x32xi32, #tpu.memory_space<vmem>>
    %dma_wait3A_86 = tpu.memref_squeeze %dma_wait3A_85 : memref<1x32xi32, #tpu.memory_space<vmem>> -> memref<32xi32, #tpu.memory_space<vmem>>
    %dma_wait3A_87 = arith.constant 0 : i32
    %dma_wait3A_88 = arith.constant 0 : i32
    %dma_wait3A_89 = tpu.memref_slice %arg4[%dma_wait3A_87, %dma_wait3A_88] : memref<2048x1024xf32, #tpu.memory_space<hbm>> -> memref<2048x1024xf32, #tpu.memory_space<hbm>>
    tpu.wait_indirect_dma semaphore(%arg11 : memref<!tpu.dma_semaphore, #tpu.memory_space<semaphore_mem>>) src(%dma_wait3A_89 : memref<2048x1024xf32, #tpu.memory_space<hbm>>) dst(%arg9 : memref<32x1024xf32, #tpu.memory_space<vmem>>)
    %dma_start3A_90 = arith.constant 3 : i32
    %dma_start3A_91 = arith.constant 0 : i32
    %dma_start3A_92 = tpu.memref_slice %arg7[%dma_start3A_90, %dma_start3A_91] : memref<4x32xi32, #tpu.memory_space<vmem>> -> memref<1x32xi32, #tpu.memory_space<vmem>>
    %dma_start3A_93 = tpu.memref_squeeze %dma_start3A_92 : memref<1x32xi32, #tpu.memory_space<vmem>> -> memref<32xi32, #tpu.memory_space<vmem>>
    %dma_start3A_94 = arith.constant 0 : i32
    %dma_start3A_95 = arith.constant 0 : i32
    %dma_start3A_96 = tpu.memref_slice %arg5[%dma_start3A_94, %dma_start3A_95] : memref<6144x1024xf32, #tpu.memory_space<hbm>> -> memref<6144x1024xf32, #tpu.memory_space<hbm>>
    tpu.enqueue_indirect_dma source(%arg9 : memref<32x1024xf32, #tpu.memory_space<vmem>>) target(%dma_start3A_96 : memref<6144x1024xf32, #tpu.memory_space<hbm>>) offsets(%dma_start3A_93 : memref<32xi32, #tpu.memory_space<vmem>>) semaphore(%arg13 : memref<!tpu.dma_semaphore, #tpu.memory_space<semaphore_mem>>)
    %dma_wait3A_97 = arith.constant 2 : i32
    %dma_wait3A_98 = arith.constant 0 : i32
    %dma_wait3A_99 = tpu.memref_slice %arg7[%dma_wait3A_97, %dma_wait3A_98] : memref<4x32xi32, #tpu.memory_space<vmem>> -> memref<1x32xi32, #tpu.memory_space<vmem>>
    %dma_wait3A_100 = tpu.memref_squeeze %dma_wait3A_99 : memref<1x32xi32, #tpu.memory_space<vmem>> -> memref<32xi32, #tpu.memory_space<vmem>>
    %dma_wait3A_101 = arith.constant 0 : i32
    %dma_wait3A_102 = arith.constant 0 : i32
    %dma_wait3A_103 = tpu.memref_slice %arg5[%dma_wait3A_101, %dma_wait3A_102] : memref<6144x1024xf32, #tpu.memory_space<hbm>> -> memref<6144x1024xf32, #tpu.memory_space<hbm>>
    tpu.wait_indirect_dma semaphore(%arg12 : memref<!tpu.dma_semaphore, #tpu.memory_space<semaphore_mem>>) src(%arg8 : memref<32x1024xf32, #tpu.memory_space<vmem>>) dst(%dma_wait3A_103 : memref<6144x1024xf32, #tpu.memory_space<hbm>>)
    %dma_wait3A_104 = arith.constant 3 : i32
    %dma_wait3A_105 = arith.constant 0 : i32
    %dma_wait3A_106 = tpu.memref_slice %arg7[%dma_wait3A_104, %dma_wait3A_105] : memref<4x32xi32, #tpu.memory_space<vmem>> -> memref<1x32xi32, #tpu.memory_space<vmem>>
    %dma_wait3A_107 = tpu.memref_squeeze %dma_wait3A_106 : memref<1x32xi32, #tpu.memory_space<vmem>> -> memref<32xi32, #tpu.memory_space<vmem>>
    %dma_wait3A_108 = arith.constant 0 : i32
    %dma_wait3A_109 = arith.constant 0 : i32
    %dma_wait3A_110 = tpu.memref_slice %arg5[%dma_wait3A_108, %dma_wait3A_109] : memref<6144x1024xf32, #tpu.memory_space<hbm>> -> memref<6144x1024xf32, #tpu.memory_space<hbm>>
    tpu.wait_indirect_dma semaphore(%arg13 : memref<!tpu.dma_semaphore, #tpu.memory_space<semaphore_mem>>) src(%arg9 : memref<32x1024xf32, #tpu.memory_space<vmem>>) dst(%dma_wait3A_110 : memref<6144x1024xf32, #tpu.memory_space<hbm>>)
    return
  }
}

module attributes {stable_mosaic.version = 14 : i64} {
  func.func @_route_body(%arg0: memref<2048x1024xf32, #tpu.memory_space<vmem>>, %arg1: memref<8x1024xf32, #tpu.memory_space<vmem>>, %arg2: memref<4096x1xi32, #tpu.memory_space<vmem>>, %arg3: memref<4096x16xf32, #tpu.memory_space<vmem>>, %arg4: memref<1x128xi32, #tpu.memory_space<vmem>>) attributes {dimension_semantics = [], scalar_prefetch = 0 : i64, scratch_operands = 0 : i64, tpu.core_type = #tpu.core_type<tc>} {
    %get3A = arith.constant 0 : index
    %get3A_0 = arith.constant 0 : index
    %get3A_1 = vector.load %arg0[%get3A, %get3A_0] : memref<2048x1024xf32, #tpu.memory_space<vmem>>, vector<2048x1024xf32>
    %get3A_2 = arith.constant 0 : index
    %get3A_3 = arith.constant 0 : index
    %get3A_4 = vector.load %arg1[%get3A_2, %get3A_3] : memref<8x1024xf32, #tpu.memory_space<vmem>>, vector<8x1024xf32>
    %dot_general3A = arith.constant dense<0.000000e+00> : vector<2048x8xf32>
    %dot_general3A_5 = tpu.matmul %get3A_1, %get3A_4, %dot_general3A {dimension_numbers = #tpu.dot_dimension_numbers<[1], [1], [0], [0], [0, 0, 1, 0], [], []>, transpose_lhs_hint = false} : vector<2048x1024xf32>, vector<8x1024xf32>, vector<2048x8xf32> -> vector<2048x8xf32>
    %iota3A = tpu.iota {dimensions = array<i32: 1>} : vector<2048x8xi32>
    %reduce_max3A = arith.constant dense<0xFF800000> : vector<2048xf32>
    %reduce_max3A_6 = vector.multi_reduction <maximumf>, %dot_general3A_5, %reduce_max3A [1] : vector<2048x8xf32> to vector<2048xf32>
    %broadcast_in_dim3A = vector.shape_cast %reduce_max3A_6 : vector<2048xf32> to vector<2048x1xf32>
    %eq3A = vector.broadcast %broadcast_in_dim3A : vector<2048x1xf32> to vector<2048x8xf32>
    %eq3A_7 = arith.cmpf oeq, %dot_general3A_5, %eq3A : vector<2048x8xf32>
    %jit3A = arith.constant 8 : i32
    %broadcast_in_dim3A_8 = vector.broadcast %jit3A : i32 to vector<2048x8xi32>
    %select_n3A = arith.select %eq3A_7, %iota3A, %broadcast_in_dim3A_8 : vector<2048x8xi1>, vector<2048x8xi32>
    %reduce_min3A = arith.constant dense<2147483647> : vector<2048xi32>
    %reduce_min3A_9 = vector.multi_reduction <minsi>, %select_n3A, %reduce_min3A [1] : vector<2048x8xi32> to vector<2048xi32>
    %broadcast_in_dim3A_10 = vector.shape_cast %reduce_min3A_9 : vector<2048xi32> to vector<2048x1xi32>
    %eq3A_11 = vector.broadcast %broadcast_in_dim3A_10 : vector<2048x1xi32> to vector<2048x8xi32>
    %eq3A_12 = arith.cmpi eq, %iota3A, %eq3A_11 : vector<2048x8xi32>
    %jit3A_13 = arith.constant 0xFF800000 : f32
    %broadcast_in_dim3A_14 = vector.broadcast %jit3A_13 : f32 to vector<2048x8xf32>
    %select_n3A_15 = arith.select %eq3A_12, %broadcast_in_dim3A_14, %dot_general3A_5 : vector<2048x8xi1>, vector<2048x8xf32>
    %reduce_max3A_16 = arith.constant dense<0xFF800000> : vector<2048xf32>
    %reduce_max3A_17 = vector.multi_reduction <maximumf>, %select_n3A_15, %reduce_max3A_16 [1] : vector<2048x8xf32> to vector<2048xf32>
    %broadcast_in_dim3A_18 = vector.shape_cast %reduce_max3A_17 : vector<2048xf32> to vector<2048x1xf32>
    %eq3A_19 = vector.broadcast %broadcast_in_dim3A_18 : vector<2048x1xf32> to vector<2048x8xf32>
    %eq3A_20 = arith.cmpf oeq, %select_n3A_15, %eq3A_19 : vector<2048x8xf32>
    %jit3A_21 = arith.constant 8 : i32
    %broadcast_in_dim3A_22 = vector.broadcast %jit3A_21 : i32 to vector<2048x8xi32>
    %select_n3A_23 = arith.select %eq3A_20, %iota3A, %broadcast_in_dim3A_22 : vector<2048x8xi1>, vector<2048x8xi32>
    %reduce_min3A_24 = arith.constant dense<2147483647> : vector<2048xi32>
    %reduce_min3A_25 = vector.multi_reduction <minsi>, %select_n3A_23, %reduce_min3A_24 [1] : vector<2048x8xi32> to vector<2048xi32>
    %broadcast_in_dim3A_26 = vector.shape_cast %reduce_min3A_25 : vector<2048xi32> to vector<2048x1xi32>
    %sub3A = arith.subf %broadcast_in_dim3A, %broadcast_in_dim3A_18 : vector<2048x1xf32>
    %logistic3A = arith.negf %sub3A : vector<2048x1xf32>
    %logistic3A_27 = math.exp %logistic3A : vector<2048x1xf32>
    %logistic3A_28 = arith.constant 1.000000e+00 : f32
    %logistic3A_29 = vector.broadcast %logistic3A_28 : f32 to vector<2048x1xf32>
    %logistic3A_30 = arith.addf %logistic3A_29, %logistic3A_27 : vector<2048x1xf32>
    %logistic3A_31 = arith.divf %logistic3A_29, %logistic3A_30 : vector<2048x1xf32>
    %concatenate3A = tpu.concatenate %broadcast_in_dim3A_10, %broadcast_in_dim3A_26 in 0 : vector<2048x1xi32>, vector<2048x1xi32> -> vector<4096x1xi32>
    %iota3A_32 = tpu.iota {dimensions = array<i32: 1>} : vector<4096x8xi32>
    %eq3A_33 = vector.broadcast %concatenate3A : vector<4096x1xi32> to vector<4096x8xi32>
    %eq3A_34 = arith.cmpi eq, %iota3A_32, %eq3A_33 : vector<4096x8xi32>
    %convert_element_type3A = arith.extui %eq3A_34 : vector<4096x8xi1> to vector<4096x8xi32>
    %broadcast_in_dim3A_35 = arith.constant 0 : i32
    %broadcast_in_dim3A_36 = vector.broadcast %broadcast_in_dim3A_35 : i32 to vector<1x8xi32>
    %slice3A = vector.extract_strided_slice %convert_element_type3A {offsets = [0, 0], sizes = [4095, 8], strides = [1, 1]} : vector<4096x8xi32> to vector<4095x8xi32>
    %concatenate3A_37 = tpu.concatenate %broadcast_in_dim3A_36, %slice3A in 0 : vector<1x8xi32>, vector<4095x8xi32> -> vector<4096x8xi32>
    %add3A = arith.addi %convert_element_type3A, %concatenate3A_37 : vector<4096x8xi32>
    %broadcast_in_dim3A_38 = arith.constant 0 : i32
    %broadcast_in_dim3A_39 = vector.broadcast %broadcast_in_dim3A_38 : i32 to vector<2x8xi32>
    %slice3A_40 = vector.extract_strided_slice %add3A {offsets = [0, 0], sizes = [4094, 8], strides = [1, 1]} : vector<4096x8xi32> to vector<4094x8xi32>
    %concatenate3A_41 = tpu.concatenate %broadcast_in_dim3A_39, %slice3A_40 in 0 : vector<2x8xi32>, vector<4094x8xi32> -> vector<4096x8xi32>
    %add3A_42 = arith.addi %add3A, %concatenate3A_41 : vector<4096x8xi32>
    %broadcast_in_dim3A_43 = arith.constant 0 : i32
    %broadcast_in_dim3A_44 = vector.broadcast %broadcast_in_dim3A_43 : i32 to vector<4x8xi32>
    %slice3A_45 = vector.extract_strided_slice %add3A_42 {offsets = [0, 0], sizes = [4092, 8], strides = [1, 1]} : vector<4096x8xi32> to vector<4092x8xi32>
    %concatenate3A_46 = tpu.concatenate %broadcast_in_dim3A_44, %slice3A_45 in 0 : vector<4x8xi32>, vector<4092x8xi32> -> vector<4096x8xi32>
    %add3A_47 = arith.addi %add3A_42, %concatenate3A_46 : vector<4096x8xi32>
    %broadcast_in_dim3A_48 = arith.constant 0 : i32
    %broadcast_in_dim3A_49 = vector.broadcast %broadcast_in_dim3A_48 : i32 to vector<8x8xi32>
    %slice3A_50 = vector.extract_strided_slice %add3A_47 {offsets = [0, 0], sizes = [4088, 8], strides = [1, 1]} : vector<4096x8xi32> to vector<4088x8xi32>
    %concatenate3A_51 = tpu.concatenate %broadcast_in_dim3A_49, %slice3A_50 in 0 : vector<8x8xi32>, vector<4088x8xi32> -> vector<4096x8xi32>
    %add3A_52 = arith.addi %add3A_47, %concatenate3A_51 : vector<4096x8xi32>
    %broadcast_in_dim3A_53 = arith.constant 0 : i32
    %broadcast_in_dim3A_54 = vector.broadcast %broadcast_in_dim3A_53 : i32 to vector<16x8xi32>
    %slice3A_55 = vector.extract_strided_slice %add3A_52 {offsets = [0, 0], sizes = [4080, 8], strides = [1, 1]} : vector<4096x8xi32> to vector<4080x8xi32>
    %concatenate3A_56 = tpu.concatenate %broadcast_in_dim3A_54, %slice3A_55 in 0 : vector<16x8xi32>, vector<4080x8xi32> -> vector<4096x8xi32>
    %add3A_57 = arith.addi %add3A_52, %concatenate3A_56 : vector<4096x8xi32>
    %broadcast_in_dim3A_58 = arith.constant 0 : i32
    %broadcast_in_dim3A_59 = vector.broadcast %broadcast_in_dim3A_58 : i32 to vector<32x8xi32>
    %slice3A_60 = vector.extract_strided_slice %add3A_57 {offsets = [0, 0], sizes = [4064, 8], strides = [1, 1]} : vector<4096x8xi32> to vector<4064x8xi32>
    %concatenate3A_61 = tpu.concatenate %broadcast_in_dim3A_59, %slice3A_60 in 0 : vector<32x8xi32>, vector<4064x8xi32> -> vector<4096x8xi32>
    %add3A_62 = arith.addi %add3A_57, %concatenate3A_61 : vector<4096x8xi32>
    %broadcast_in_dim3A_63 = arith.constant 0 : i32
    %broadcast_in_dim3A_64 = vector.broadcast %broadcast_in_dim3A_63 : i32 to vector<64x8xi32>
    %slice3A_65 = vector.extract_strided_slice %add3A_62 {offsets = [0, 0], sizes = [4032, 8], strides = [1, 1]} : vector<4096x8xi32> to vector<4032x8xi32>
    %concatenate3A_66 = tpu.concatenate %broadcast_in_dim3A_64, %slice3A_65 in 0 : vector<64x8xi32>, vector<4032x8xi32> -> vector<4096x8xi32>
    %add3A_67 = arith.addi %add3A_62, %concatenate3A_66 : vector<4096x8xi32>
    %broadcast_in_dim3A_68 = arith.constant 0 : i32
    %broadcast_in_dim3A_69 = vector.broadcast %broadcast_in_dim3A_68 : i32 to vector<128x8xi32>
    %slice3A_70 = vector.extract_strided_slice %add3A_67 {offsets = [0, 0], sizes = [3968, 8], strides = [1, 1]} : vector<4096x8xi32> to vector<3968x8xi32>
    %concatenate3A_71 = tpu.concatenate %broadcast_in_dim3A_69, %slice3A_70 in 0 : vector<128x8xi32>, vector<3968x8xi32> -> vector<4096x8xi32>
    %add3A_72 = arith.addi %add3A_67, %concatenate3A_71 : vector<4096x8xi32>
    %broadcast_in_dim3A_73 = arith.constant 0 : i32
    %broadcast_in_dim3A_74 = vector.broadcast %broadcast_in_dim3A_73 : i32 to vector<256x8xi32>
    %slice3A_75 = vector.extract_strided_slice %add3A_72 {offsets = [0, 0], sizes = [3840, 8], strides = [1, 1]} : vector<4096x8xi32> to vector<3840x8xi32>
    %concatenate3A_76 = tpu.concatenate %broadcast_in_dim3A_74, %slice3A_75 in 0 : vector<256x8xi32>, vector<3840x8xi32> -> vector<4096x8xi32>
    %add3A_77 = arith.addi %add3A_72, %concatenate3A_76 : vector<4096x8xi32>
    %broadcast_in_dim3A_78 = arith.constant 0 : i32
    %broadcast_in_dim3A_79 = vector.broadcast %broadcast_in_dim3A_78 : i32 to vector<512x8xi32>
    %slice3A_80 = vector.extract_strided_slice %add3A_77 {offsets = [0, 0], sizes = [3584, 8], strides = [1, 1]} : vector<4096x8xi32> to vector<3584x8xi32>
    %concatenate3A_81 = tpu.concatenate %broadcast_in_dim3A_79, %slice3A_80 in 0 : vector<512x8xi32>, vector<3584x8xi32> -> vector<4096x8xi32>
    %add3A_82 = arith.addi %add3A_77, %concatenate3A_81 : vector<4096x8xi32>
    %broadcast_in_dim3A_83 = arith.constant 0 : i32
    %broadcast_in_dim3A_84 = vector.broadcast %broadcast_in_dim3A_83 : i32 to vector<1024x8xi32>
    %slice3A_85 = vector.extract_strided_slice %add3A_82 {offsets = [0, 0], sizes = [3072, 8], strides = [1, 1]} : vector<4096x8xi32> to vector<3072x8xi32>
    %concatenate3A_86 = tpu.concatenate %broadcast_in_dim3A_84, %slice3A_85 in 0 : vector<1024x8xi32>, vector<3072x8xi32> -> vector<4096x8xi32>
    %add3A_87 = arith.addi %add3A_82, %concatenate3A_86 : vector<4096x8xi32>
    %broadcast_in_dim3A_88 = arith.constant 0 : i32
    %broadcast_in_dim3A_89 = vector.broadcast %broadcast_in_dim3A_88 : i32 to vector<2048x8xi32>
    %slice3A_90 = vector.extract_strided_slice %add3A_87 {offsets = [0, 0], sizes = [2048, 8], strides = [1, 1]} : vector<4096x8xi32> to vector<2048x8xi32>
    %concatenate3A_91 = tpu.concatenate %broadcast_in_dim3A_89, %slice3A_90 in 0 : vector<2048x8xi32>, vector<2048x8xi32> -> vector<4096x8xi32>
    %add3A_92 = arith.addi %add3A_87, %concatenate3A_91 : vector<4096x8xi32>
    %slice3A_93 = vector.extract_strided_slice %add3A_92 {offsets = [4095, 0], sizes = [1, 8], strides = [1, 1]} : vector<4096x8xi32> to vector<1x8xi32>
    %mul3A = arith.muli %convert_element_type3A, %add3A_92 : vector<4096x8xi32>
    %reduce_sum3A = arith.constant dense<0> : vector<4096xi32>
    %reduce_sum3A_94 = vector.multi_reduction <add>, %mul3A, %reduce_sum3A [1] : vector<4096x8xi32> to vector<4096xi32>
    %broadcast_in_dim3A_95 = vector.shape_cast %reduce_sum3A_94 : vector<4096xi32> to vector<4096x1xi32>
    %sub3A_96 = arith.constant 1 : i32
    %sub3A_97 = vector.broadcast %sub3A_96 : i32 to vector<4096x1xi32>
    %sub3A_98 = arith.subi %broadcast_in_dim3A_95, %sub3A_97 : vector<4096x1xi32>
    %add3A_99 = arith.constant 256 : i32
    %add3A_100 = vector.broadcast %add3A_99 : i32 to vector<1x8xi32>
    %add3A_101 = arith.addi %slice3A_93, %add3A_100 : vector<1x8xi32>
    %sub3A_102 = arith.constant 1 : i32
    %sub3A_103 = vector.broadcast %sub3A_102 : i32 to vector<1x8xi32>
    %sub3A_104 = arith.subi %add3A_101, %sub3A_103 : vector<1x8xi32>
    %jit3A_105 = arith.constant 256 : i32
    %div3A = vector.broadcast %jit3A_105 : i32 to vector<1x8xi32>
    %div3A_106 = arith.divsi %sub3A_104, %div3A : vector<1x8xi32>
    %sign3A = arith.constant 0 : i32
    %sign3A_107 = vector.broadcast %sign3A : i32 to vector<1x8xi32>
    %sign3A_108 = arith.cmpi sgt, %sub3A_104, %sign3A_107 : vector<1x8xi32>
    %sign3A_109 = arith.extui %sign3A_108 : vector<1x8xi1> to vector<1x8xi32>
    %sign3A_110 = arith.constant 0 : i32
    %sign3A_111 = vector.broadcast %sign3A_110 : i32 to vector<1x8xi32>
    %sign3A_112 = arith.cmpi slt, %sub3A_104, %sign3A_111 : vector<1x8xi32>
    %sign3A_113 = arith.extui %sign3A_112 : vector<1x8xi1> to vector<1x8xi32>
    %sign3A_114 = arith.subi %sign3A_109, %sign3A_113 : vector<1x8xi32>
    %sign3A_115 = arith.constant 0 : i32
    %sign3A_116 = arith.cmpi sgt, %jit3A_105, %sign3A_115 : i32
    %sign3A_117 = arith.extui %sign3A_116 : i1 to i32
    %sign3A_118 = arith.constant 0 : i32
    %sign3A_119 = arith.cmpi slt, %jit3A_105, %sign3A_118 : i32
    %sign3A_120 = arith.extui %sign3A_119 : i1 to i32
    %sign3A_121 = arith.subi %sign3A_117, %sign3A_120 : i32
    %ne3A = vector.broadcast %sign3A_121 : i32 to vector<1x8xi32>
    %ne3A_122 = arith.cmpi ne, %sign3A_114, %ne3A : vector<1x8xi32>
    %rem3A = vector.broadcast %jit3A_105 : i32 to vector<1x8xi32>
    %rem3A_123 = arith.remsi %sub3A_104, %rem3A : vector<1x8xi32>
    %ne3A_124 = arith.constant 0 : i32
    %ne3A_125 = vector.broadcast %ne3A_124 : i32 to vector<1x8xi32>
    %ne3A_126 = arith.cmpi ne, %rem3A_123, %ne3A_125 : vector<1x8xi32>
    %and3A = arith.andi %ne3A_122, %ne3A_126 : vector<1x8xi1>
    %sub3A_127 = arith.constant 1 : i32
    %sub3A_128 = vector.broadcast %sub3A_127 : i32 to vector<1x8xi32>
    %sub3A_129 = arith.subi %div3A_106, %sub3A_128 : vector<1x8xi32>
    %select_n3A_130 = arith.select %and3A, %sub3A_129, %div3A_106 : vector<1x8xi1>, vector<1x8xi32>
    %mul3A_131 = arith.constant 256 : i32
    %mul3A_132 = vector.broadcast %mul3A_131 : i32 to vector<1x8xi32>
    %mul3A_133 = arith.muli %select_n3A_130, %mul3A_132 : vector<1x8xi32>
    %convert_element_type3A_134 = arith.sitofp %mul3A_133 : vector<1x8xi32> to vector<1x8xf32>
    %iota3A_135 = tpu.iota {dimensions = array<i32: 0>} : vector<8x8xi32>
    %iota3A_136 = tpu.iota {dimensions = array<i32: 1>} : vector<8x8xi32>
    %lt3A = arith.cmpi slt, %iota3A_135, %iota3A_136 : vector<8x8xi32>
    %convert_element_type3A_137 = arith.extui %lt3A : vector<8x8xi1> to vector<8x8xi32>
    %convert_element_type3A_138 = arith.sitofp %convert_element_type3A_137 : vector<8x8xi32> to vector<8x8xf32>
    %dot_general3A_139 = arith.constant dense<0.000000e+00> : vector<1x8xf32>
    %dot_general3A_140 = tpu.matmul %convert_element_type3A_134, %convert_element_type3A_138, %dot_general3A_139 {dimension_numbers = #tpu.dot_dimension_numbers<[1], [0], [0], [1], [0, 0, 1, 1], [], []>, precision = #tpu.contract_precision<fp32>, transpose_lhs_hint = false} : vector<1x8xf32>, vector<8x8xf32>, vector<1x8xf32> -> vector<1x8xf32>
    %add3A_141 = arith.addf %dot_general3A_140, %convert_element_type3A_134 : vector<1x8xf32>
    %eq3A_142 = arith.cmpi eq, %iota3A_135, %iota3A_136 : vector<8x8xi32>
    %convert_element_type3A_143 = arith.extui %eq3A_142 : vector<8x8xi1> to vector<8x8xi32>
    %convert_element_type3A_144 = arith.sitofp %convert_element_type3A_143 : vector<8x8xi32> to vector<8x8xf32>
    %dot_general3A_145 = arith.constant dense<0.000000e+00> : vector<8x1xf32>
    %dot_general3A_146 = tpu.matmul %convert_element_type3A_144, %add3A_141, %dot_general3A_145 {dimension_numbers = #tpu.dot_dimension_numbers<[1], [1], [0], [0], [0, 0, 1, 0], [], []>, precision = #tpu.contract_precision<fp32>, transpose_lhs_hint = false} : vector<8x8xf32>, vector<1x8xf32>, vector<8x1xf32> -> vector<8x1xf32>
    %iota3A_147 = tpu.iota {dimensions = array<i32: 1>} : vector<8x128xi32>
    %mul3A_148 = arith.constant 256 : i32
    %mul3A_149 = vector.broadcast %mul3A_148 : i32 to vector<8x128xi32>
    %mul3A_150 = arith.muli %iota3A_147, %mul3A_149 : vector<8x128xi32>
    %convert_element_type3A_151 = arith.sitofp %mul3A_150 : vector<8x128xi32> to vector<8x128xf32>
    %le3A = vector.broadcast %dot_general3A_146 : vector<8x1xf32> to vector<8x128xf32>
    %le3A_152 = arith.cmpf ole, %le3A, %convert_element_type3A_151 : vector<8x128xf32>
    %convert_element_type3A_153 = arith.extui %le3A_152 : vector<8x128xi1> to vector<8x128xi32>
    %reduce_sum3A_154 = arith.constant dense<0> : vector<128xi32>
    %reduce_sum3A_155 = vector.multi_reduction <add>, %convert_element_type3A_153, %reduce_sum3A_154 [0] : vector<8x128xi32> to vector<128xi32>
    %broadcast_in_dim3A_156 = vector.shape_cast %reduce_sum3A_155 : vector<128xi32> to vector<1x128xi32>
    %min3A = arith.constant 7 : i32
    %min3A_157 = vector.broadcast %min3A : i32 to vector<1x128xi32>
    %min3A_158 = arith.minsi %broadcast_in_dim3A_156, %min3A_157 : vector<1x128xi32>
    %swap3A = arith.constant 0 : index
    %swap3A_159 = arith.constant 0 : index
    %swap3A_160 = vector.load %arg4[%swap3A, %swap3A_159] : memref<1x128xi32, #tpu.memory_space<vmem>>, vector<1x128xi32>
    tpu.vector_store %arg4[%swap3A, %swap3A_159], %min3A_158 {strides = array<i32>} : memref<1x128xi32, #tpu.memory_space<vmem>>, vector<1x128xi32>,
    %convert_element_type3A_161 = arith.sitofp %convert_element_type3A : vector<4096x8xi32> to vector<4096x8xf32>
    %mul3A_162 = vector.broadcast %dot_general3A_140 : vector<1x8xf32> to vector<4096x8xf32>
    %mul3A_163 = arith.mulf %convert_element_type3A_161, %mul3A_162 : vector<4096x8xf32>
    %reduce_sum3A_164 = arith.constant dense<0.000000e+00> : vector<4096xf32>
    %reduce_sum3A_165 = vector.multi_reduction <add>, %mul3A_163, %reduce_sum3A_164 [1] : vector<4096x8xf32> to vector<4096xf32>
    %broadcast_in_dim3A_166 = vector.shape_cast %reduce_sum3A_165 : vector<4096xf32> to vector<4096x1xf32>
    %convert_element_type3A_167 = arith.fptosi %broadcast_in_dim3A_166 : vector<4096x1xf32> to vector<4096x1xi32>
    %add3A_168 = arith.addi %convert_element_type3A_167, %sub3A_98 : vector<4096x1xi32>
    %swap3A_169 = arith.constant 0 : index
    %swap3A_170 = arith.constant 0 : index
    %swap3A_171 = vector.load %arg2[%swap3A_169, %swap3A_170] : memref<4096x1xi32, #tpu.memory_space<vmem>>, vector<4096x1xi32>
    tpu.vector_store %arg2[%swap3A_169, %swap3A_170], %add3A_168 {strides = array<i32>} : memref<4096x1xi32, #tpu.memory_space<vmem>>, vector<4096x1xi32>,
    %sub3A_172 = arith.constant 1.000000e+00 : f32
    %sub3A_173 = vector.broadcast %sub3A_172 : f32 to vector<2048x1xf32>
    %sub3A_174 = arith.subf %sub3A_173, %logistic3A_31 : vector<2048x1xf32>
    %concatenate3A_175 = tpu.concatenate %logistic3A_31, %sub3A_174 in 0 : vector<2048x1xf32>, vector<2048x1xf32> -> vector<4096x1xf32>
    %broadcast_in_dim3A_176 = vector.shape_cast %concatenate3A_175 : vector<4096x1xf32> to vector<4096x1xf32>
    %broadcast_in_dim3A_177 = vector.broadcast %broadcast_in_dim3A_176 : vector<4096x1xf32> to vector<4096x16xf32>
    %swap3A_178 = arith.constant 0 : index
    %swap3A_179 = arith.constant 0 : index
    %swap3A_180 = vector.load %arg3[%swap3A_178, %swap3A_179] : memref<4096x16xf32, #tpu.memory_space<vmem>>, vector<4096x16xf32>
    tpu.vector_store %arg3[%swap3A_178, %swap3A_179], %broadcast_in_dim3A_177 {strides = array<i32>} : memref<4096x16xf32, #tpu.memory_space<vmem>>, vector<4096x16xf32>,
    return
  }
}

module attributes {stable_mosaic.version = 14 : i64} {
  func.func @_ffn_body(%arg0: i32, %arg1: memref<24xi32, #tpu.memory_space<smem>>, %arg2: memref<256x1024xf32, #tpu.memory_space<vmem>>, %arg3: memref<1x2048x1024xbf16, #tpu.memory_space<vmem>>, %arg4: memref<1x2048x1024xbf16, #tpu.memory_space<vmem>>, %arg5: memref<1x1024x2048xbf16, #tpu.memory_space<vmem>>, %arg6: memref<256x1024xf32, #tpu.memory_space<vmem>>) attributes {dimension_semantics = [#tpu.dimension_semantics<arbitrary>], iteration_bounds = array<i64: 24>, scalar_prefetch = 1 : i64, scratch_operands = 0 : i64, tpu.core_type = #tpu.core_type<tc>, window_params = [{transform_indices = @transform_0, window_bounds = array<i64: 256, 1024>}, {transform_indices = @transform_1, window_bounds = array<i64: 1, 2048, 1024>}, {transform_indices = @transform_2, window_bounds = array<i64: 1, 2048, 1024>}, {transform_indices = @transform_3, window_bounds = array<i64: 1, 1024, 2048>}, {transform_indices = @transform_4, window_bounds = array<i64: 256, 1024>}]} {
    %get3A = arith.constant 0 : index
    %get3A_0 = arith.constant 0 : index
    %get3A_1 = vector.load %arg2[%get3A, %get3A_0] : memref<256x1024xf32, #tpu.memory_space<vmem>>, vector<256x1024xf32>
    %convert_element_type3A = arith.truncf %get3A_1 : vector<256x1024xf32> to vector<256x1024xbf16>
    %get3A_2 = arith.constant 0 : index
    %get3A_3 = arith.constant 0 : index
    %get3A_4 = arith.constant 0 : index
    %get3A_5 = vector.load %arg3[%get3A_2, %get3A_3, %get3A_4] : memref<1x2048x1024xbf16, #tpu.memory_space<vmem>>, vector<1x2048x1024xbf16>
    %get3A_6 = vector.shape_cast %get3A_5 : vector<1x2048x1024xbf16> to vector<2048x1024xbf16>
    %dot_general3A = arith.constant dense<0.000000e+00> : vector<256x2048xf32>
    %dot_general3A_7 = tpu.matmul %convert_element_type3A, %get3A_6, %dot_general3A {dimension_numbers = #tpu.dot_dimension_numbers<[1], [1], [0], [0], [0, 0, 1, 0], [], []>, transpose_lhs_hint = false} : vector<256x1024xbf16>, vector<2048x1024xbf16>, vector<256x2048xf32> -> vector<256x2048xf32>
    %get3A_8 = arith.constant 0 : index
    %get3A_9 = arith.constant 0 : index
    %get3A_10 = arith.constant 0 : index
    %get3A_11 = vector.load %arg4[%get3A_8, %get3A_9, %get3A_10] : memref<1x2048x1024xbf16, #tpu.memory_space<vmem>>, vector<1x2048x1024xbf16>
    %get3A_12 = vector.shape_cast %get3A_11 : vector<1x2048x1024xbf16> to vector<2048x1024xbf16>
    %dot_general3A_13 = arith.constant dense<0.000000e+00> : vector<256x2048xf32>
    %dot_general3A_14 = tpu.matmul %convert_element_type3A, %get3A_12, %dot_general3A_13 {dimension_numbers = #tpu.dot_dimension_numbers<[1], [1], [0], [0], [0, 0, 1, 0], [], []>, transpose_lhs_hint = false} : vector<256x1024xbf16>, vector<2048x1024xbf16>, vector<256x2048xf32> -> vector<256x2048xf32>
    %logistic3A = arith.negf %dot_general3A_7 : vector<256x2048xf32>
    %logistic3A_15 = math.exp %logistic3A : vector<256x2048xf32>
    %logistic3A_16 = arith.constant 1.000000e+00 : f32
    %logistic3A_17 = vector.broadcast %logistic3A_16 : f32 to vector<256x2048xf32>
    %logistic3A_18 = arith.addf %logistic3A_17, %logistic3A_15 : vector<256x2048xf32>
    %logistic3A_19 = arith.divf %logistic3A_17, %logistic3A_18 : vector<256x2048xf32>
    %mul3A = arith.mulf %dot_general3A_7, %logistic3A_19 : vector<256x2048xf32>
    %mul3A_20 = arith.mulf %mul3A, %dot_general3A_14 : vector<256x2048xf32>
    %convert_element_type3A_21 = arith.truncf %mul3A_20 : vector<256x2048xf32> to vector<256x2048xbf16>
    %get3A_22 = arith.constant 0 : index
    %get3A_23 = arith.constant 0 : index
    %get3A_24 = arith.constant 0 : index
    %get3A_25 = vector.load %arg5[%get3A_22, %get3A_23, %get3A_24] : memref<1x1024x2048xbf16, #tpu.memory_space<vmem>>, vector<1x1024x2048xbf16>
    %get3A_26 = vector.shape_cast %get3A_25 : vector<1x1024x2048xbf16> to vector<1024x2048xbf16>
    %dot_general3A_27 = arith.constant dense<0.000000e+00> : vector<256x1024xf32>
    %dot_general3A_28 = tpu.matmul %convert_element_type3A_21, %get3A_26, %dot_general3A_27 {dimension_numbers = #tpu.dot_dimension_numbers<[1], [1], [0], [0], [0, 0, 1, 0], [], []>, transpose_lhs_hint = false} : vector<256x2048xbf16>, vector<1024x2048xbf16>, vector<256x1024xf32> -> vector<256x1024xf32>
    %swap3A = arith.constant 0 : index
    %swap3A_29 = arith.constant 0 : index
    %swap3A_30 = vector.load %arg6[%swap3A, %swap3A_29] : memref<256x1024xf32, #tpu.memory_space<vmem>>, vector<256x1024xf32>
    tpu.vector_store %arg6[%swap3A, %swap3A_29], %dot_general3A_28 {strides = array<i32>} : memref<256x1024xf32, #tpu.memory_space<vmem>>, vector<256x1024xf32>,
    return
  }
  func.func @transform_0(%arg0: i32, %arg1: memref<24xi32, #tpu.memory_space<smem>>) -> (i32, i32) {
    %c0_i32 = arith.constant 0 : i32
    %c0_i32_0 = arith.constant 0 : i32
    return %arg0, %c0_i32 : i32, i32
  }
  func.func @transform_1(%arg0: i32, %arg1: memref<24xi32, #tpu.memory_space<smem>>) -> (i32, i32, i32) {
    %get3A = arith.index_cast %arg0 : i32 to index
    %get3A_0 = memref.load %arg1[%get3A] : memref<24xi32, #tpu.memory_space<smem>>
    %c0_i32 = arith.constant 0 : i32
    %c0_i32_1 = arith.constant 0 : i32
    %c0_i32_2 = arith.constant 0 : i32
    return %get3A_0, %c0_i32, %c0_i32_1 : i32, i32, i32
  }
  func.func @transform_2(%arg0: i32, %arg1: memref<24xi32, #tpu.memory_space<smem>>) -> (i32, i32, i32) {
    %get3A = arith.index_cast %arg0 : i32 to index
    %get3A_0 = memref.load %arg1[%get3A] : memref<24xi32, #tpu.memory_space<smem>>
    %c0_i32 = arith.constant 0 : i32
    %c0_i32_1 = arith.constant 0 : i32
    %c0_i32_2 = arith.constant 0 : i32
    return %get3A_0, %c0_i32, %c0_i32_1 : i32, i32, i32
  }
  func.func @transform_3(%arg0: i32, %arg1: memref<24xi32, #tpu.memory_space<smem>>) -> (i32, i32, i32) {
    %get3A = arith.index_cast %arg0 : i32 to index
    %get3A_0 = memref.load %arg1[%get3A] : memref<24xi32, #tpu.memory_space<smem>>
    %c0_i32 = arith.constant 0 : i32
    %c0_i32_1 = arith.constant 0 : i32
    %c0_i32_2 = arith.constant 0 : i32
    return %get3A_0, %c0_i32, %c0_i32_1 : i32, i32, i32
  }
  func.func @transform_4(%arg0: i32, %arg1: memref<24xi32, #tpu.memory_space<smem>>) -> (i32, i32) {
    %c0_i32 = arith.constant 0 : i32
    %c0_i32_0 = arith.constant 0 : i32
    return %arg0, %c0_i32 : i32, i32
  }
}

</mosaic_0001>

<sc_bundles>
// kernel: kernel.5.cloned.1.call-start
scs
__scs_entry_jumppad:
0x0: {  	(pc) =	sbr.rel $0x88, $3  }
0x1: {  	(tag) =	ssettag $0x0;
	lr =	simm.s32 $0x1  }
0x2: {  	[smem:$0x3F9C] =	sst lr;
	_ =	strace $0xD0000000  }
0x3: {  	_ = 	snop  }
0x4: {  	_ = 	snop  }
0x5: {  	_ = 	snop  }
0x6: {  	_ = 	snop  }
0x7: {  	_ = 	snop  }
__scs_overlays_trampoline_lowered:
0x8: {  	[smem:$0x3FAB] =	sst s0  }
0x9: {  	[smem:$0x3FAC] =	sst s1  }
0xa: {  	[smem:$0x3FAD] =	sst s2  }
0xb: {  	[smem:$0x3FAE] =	sst s3  }
0xc: {  	[smem:$0x3FAF] =	sst s4  }
0xd: {  	[smem:$0x3FB0] =	sst s5  }
0xe: {  	[smem:$0x3FB1] =	sst s6  }
0xf: {  	[smem:$0x3FB2] =	sst s7  }
0x10: {  	[smem:$0x3FB3] =	sst s8  }
0x11: {  	[smem:$0x3FB4] =	sst s9;
	s0 =	simm.s32 @!p0 $0x0  }
0x12: {  	s1 =	sld [smem:$0x3F9A];
	s0 =	simm.s32 @p0 $0x1  }
0x13: {  	[smem:$0x3FB5] =	sst s0;
	s0 =	simm.s32 @!p1 $0x0  }
0x14: {  	s2 =	sld [smem:$0x3F99];
	s0 =	simm.s32 @p1 $0x1  }
0x15: {  	[smem:$0x3FB6] =	sst s0;
	s0 =	simm.s32 @!p2 $0x0  }
0x16: {  	s3 =	sld [smem:$0x3FDB];
	s0 =	simm.s32 @p2 $0x1  }
0x17: {  	s4 =	simm.s32 $0x1BF5;
	[smem:$0x3FB8] =	sst s0  }
0x18: {  	s0 =	sld [smem:$0x3F9B];
	_ =	swait.ge [sflag:s4], $0x0  }
0x19: {  	s7 =	sld [smem:$0x3F9C]  }
0x1a: {  	s8 =	sadd.s32 $0xFFFFE003, lr  }
0x1b: {  	s9 =	sadd.s32 $0xFFFFFEF7, lr;
	s5 =	simm.s32 $0xFFFFFFFF;
	p2 =	slt.u32 s8, $0xFFFFF086  }
0x1c: {  	p1 =	slt.u32 s9, $0xF7A;
	s5 =	simm.s32 @!p2 $0x0  }
0x1d: {  	s5 =	simm.s32 @p1 $0x1;
	p0 =	seq.s32 s7, s2  }
0x1e: {  	s7 =	smul.u32 @!p0 $0xF7A, s2;
	p2 =	seq.s32 @!p0 s5, $0x0  }
0x1f: {  	s9 =	smul.u32 $0xF7A, s1;
	s8 =	simm.s32 @!p0 $0x1BF5;
	p2 =	por !p2, p0  }
0x20: {  	[sflag:s8] =	ssyncset.s32 @!p0 $0xFFFFF086;
	s6 =	sadd.s32 @!p0 s3, s7;
	s7 =	simm.s32 @!p0 $0x108  }
0x21: {  	s3 =	sadd.s32 s3, s9;
	s6 =	sadd.s32 @!p0 $0x88, s6;
	s7 =	simm.s32 @p2 $0x1082  }
0x22: {  	[simem:s7], [sflag:s8] =	dma.local @!p0 [hbm:s6], $0xF7A  }
0x23: {  	s9 =	sor.u32 $0xD0000000, s2;
	s6 =	simm.s32 $0x108;
	_ =	swait.ge @!p0 [sflag:s8], $0x0  }
0x24: {  	s3 =	sadd.s32 $0x88, s3;
	s6 =	simm.s32 @!p1 $0x1082;
	[sflag:s4] =	ssyncset.s32 $0xFFFFF086  }
0x25: {  	[simem:s6], [sflag:s4] =	dma.local [hbm:s3], $0xF7A  }
0x26: {  	[smem:$0x3F9C] =	sst s1;
	(tag) =	ssettag s2;
	_ =	strace s9  }
0x27: {  	s1 =	sld [smem:$0x3FAC]  }
0x28: {  	s2 =	sld [smem:$0x3FAD]  }
0x29: {  	s4 =	sld [smem:$0x3FAF]  }
0x2a: {  	p0 =	seq.s32 s5, $0x0;
	s5 =	sld [smem:$0x3FB0]  }
0x2b: {  	s6 =	sld [smem:$0x3FB1]  }
0x2c: {  	s7 =	sld [smem:$0x3FB2]  }
0x2d: {  	s3 =	simm.s32 $0x108;
	s8 =	sld [smem:$0x3FB3]  }
0x2e: {  	s3 =	simm.s32 @!p0 $0x1082;
	s9 =	sld [smem:$0x3FB4]  }
0x2f: {  	lr =	sadd.s32 s0, s3;
	s0 =	sld [smem:$0x3FAB]  }
0x30: {  	s3 =	sld [smem:$0x3FAE]  }
0x31: {  	[smem:$0x3FB7] =	sst s10  }
0x32: {  	s10 =	sld [smem:$0x3FB5];
	_ =	sdelay $0x3  }
0x33: {  	p0 =	seq.s32 s10, $0x1;
	s10 =	sld [smem:$0x3FB7];
	_ =	sdelay $0x3  }
0x34: {  	[smem:$0x3FB7] =	sst s10  }
0x35: {  	s10 =	sld [smem:$0x3FB6];
	_ =	sdelay $0x3  }
0x36: {  	p1 =	seq.s32 s10, $0x1;
	s10 =	sld [smem:$0x3FB7];
	_ =	sdelay $0x3  }
0x37: {  	[smem:$0x3FB7] =	sst s10  }
0x38: {  	s10 =	sld [smem:$0x3FB8]  }
0x39: {  	_ = 	snop;
	(pc) =	sbr.ind lr, $3  }
0x3a: {  	_ = 	snop  }
0x3b: {  	_ = 	snop  }
0x3c: {  	p2 =	seq.s32 s10, $0x1;
	s10 =	sld [smem:$0x3FB7]  }
0x3d: {  	_ =	shalt  }
0x3e: {  	_ =	shalt  }
0x3f: {  	_ =	shalt  }
0x40: {  	_ =	shalt  }
0x41: {  	_ =	shalt  }
0x42: {  	_ =	shalt  }
0x43: {  	_ =	shalt  }
0x44: {  	_ =	shalt  }
0x45: {  	_ =	shalt  }
0x46: {  	_ =	shalt  }
0x47: {  	_ =	shalt  }
0x48: {  	_ =	shalt  }
0x49: {  	_ =	shalt  }
0x4a: {  	_ =	shalt  }
0x4b: {  	_ =	shalt  }
0x4c: {  	_ =	shalt  }
0x4d: {  	_ =	shalt  }
0x4e: {  	_ =	shalt  }
0x4f: {  	_ =	shalt  }
0x50: {  	_ =	shalt  }
0x51: {  	_ =	shalt  }
0x52: {  	_ =	shalt  }
0x53: {  	_ =	shalt  }
0x54: {  	_ =	shalt  }
0x55: {  	_ =	shalt  }
0x56: {  	_ =	shalt  }
0x57: {  	_ =	shalt  }
0x58: {  	_ =	shalt  }
0x59: {  	_ =	shalt  }
0x5a: {  	_ =	shalt  }
0x5b: {  	_ =	shalt  }
0x5c: {  	_ =	shalt  }
0x5d: {  	_ =	shalt  }
0x5e: {  	_ =	shalt  }
0x5f: {  	_ =	shalt  }
0x60: {  	_ =	shalt  }
0x61: {  	_ =	shalt  }
0x62: {  	_ =	shalt  }
0x63: {  	_ =	shalt  }
0x64: {  	_ =	shalt  }
0x65: {  	_ =	shalt  }
0x66: {  	_ =	shalt  }
0x67: {  	_ =	shalt  }
0x68: {  	_ =	shalt  }
0x69: {  	_ =	shalt  }
0x6a: {  	_ =	shalt  }
0x6b: {  	_ =	shalt  }
0x6c: {  	_ =	shalt  }
0x6d: {  	_ =	shalt  }
0x6e: {  	_ =	shalt  }
0x6f: {  	_ =	shalt  }
0x70: {  	_ =	shalt  }
0x71: {  	_ =	shalt  }
0x72: {  	_ =	shalt  }
0x73: {  	_ =	shalt  }
0x74: {  	_ =	shalt  }
0x75: {  	_ =	shalt  }
0x76: {  	_ =	shalt  }
0x77: {  	_ =	shalt  }
0x78: {  	_ =	shalt  }
0x79: {  	_ =	shalt  }
0x7a: {  	_ =	shalt  }
0x7b: {  	_ =	shalt  }
0x7c: {  	_ =	shalt  }
0x7d: {  	_ =	shalt  }
0x7e: {  	_ =	shalt  }
0x7f: {  	_ =	shalt  }
0x80: {  	_ =	shalt  }
0x81: {  	_ =	shalt  }
0x82: {  	_ =	shalt  }
0x83: {  	_ =	shalt  }
0x84: {  	_ =	shalt  }
0x85: {  	_ =	shalt  }
0x86: {  	_ =	shalt  }
0x87: {  	_ =	shalt  }
.Lfunc_end0:
.L_simem_size_0:
called_computation_lowered:
.L_overlay_start_0:
0x88: {  	s2 =	sld [smem:$0x3FD9]  }
0x89: {  	s3 =	sld [smem:$0x3FFE];
	_ =	sdelay $0x1  }
0x8a: {  	s1 =	srdreg.scid  }
0x8b: {  	s0 =	sand.u32 $0x1, s1  }
0x8c: {  	s17 =	sshll.u32 s0, $0xA;
	s2 =	sadd.s32 s3, s2  }
0x8d: {  	s2 =	sadd.s32 s2, s17  }
0x8e: {  	[smem:$0x3FC3] =	sst s2  }
0x8f: {  	_ = 	snop  }
0x90: {  	s2 =	sld [smem:$0x3FC9]  }
0x91: {  	s18 =	sld [smem:$0x3FD0];
	(tm) =	ssettm $0x1  }
0x92: {  	s4 =	sld [smem:$0x3FFB];
	_ =	sdelay $0x3  }
0x93: {  	_ =	strace s4  }
0x94: {  	s4 =	sld [smem:$0x3FFC];
	_ =	sdelay $0x3  }
0x95: {  	_ =	strace s4  }
0x96: {  	s4 =	sld [smem:$0x3FFD];
	_ =	sdelay $0x3  }
0x97: {  	_ =	strace s4  }
0x98: {  	_ =	strace $0x8FFFFFFF  }
0x99: {  	s19 =	sld [smem:$0x3FDB];
	_ =	sdelay $0x1  }
0x9a: {  	s5 =	simm.s32 $_scs_section_size  }
0x9b: {  	s6 =	simm.s32 $_size__tile_overlayer_lowered;
	s7 =	simm.s32 $_tile_overlayer_lowered  }
0x9c: {  	s22 =	simm.s32 $0x1BFF;
	s21 =	sshll.u32 s7, $0x1;
	s4 =	sadd.s32 s5, s19  }
0x9d: {  	s8 =	simm.s32 $0x0;
	s20 =	sshll.u32 s6, $0x1;
	s6 =	sadd.s32 s21, s4  }
0x9e: {  	[timem:s8], [sflag:s22] =	dma.local [hbm:s6], s20  }
0x9f: {  	_ =	swait.ge [sflag:s22], s20  }
0xa0: {  	s5 =	ssub.s32 $0x0, s20;
	[sflag:s22] =	ssyncset.done $0x0  }
0xa1: {  	[sflag:s22] =	ssyncadd.s32 s5;
	_ =	sdelay $0x1  }
0xa2: {  	s23 =	simm.s32 $0x1B8B  }
0xa3: {  	_ =	swait.ge [sflag:s23], $0x1  }
0xa4: {  	[sflag:s23] =	ssyncset.done $0x0  }
0xa5: {  	s25 =	simm.s32 $0x1B8E;
	s24 =	sld [smem:$0x3FFE];
	[sflag:s23] =	ssyncadd.s32 $0xFFFFFFFF  }
0xa6: {  	s26 =	simm.s32 $execute0_lowered;
	[smem:$0x3FD2] =	sst s25  }
0xa7: {  	s6 =	sshll.u32 s26, $0x1;
	_ =	strace $0x80000046;
	[dreg:$0x1] =	wrdreg $0xFFFFFFFF  }
0xa8: {  	s28 =	simm.s32 $_size_execute0_lowered;
	s4 =	sadd.s32 s4, s6;
	[dreg:$0x0] =	wrdreg $0x0  }
0xa9: {  	s6 =	sshll.u32 s28, $0x1;
	[dreg:$0x2] =	wrdreg s4  }
0xaa: {  	[dreg:$0x3] =	wrdreg s6  }
0xab: {  	[dreg:$0x4] =	wrdreg $0xC0  }
0xac: {  	_ =	task [dreg:s8], $0x5FFFF  }
0xad: {  	[dreg:$0x1] =	wrdreg $0xFFFFFFFF  }
0xae: {  	[dreg:$0x0] =	wrdreg $0x60  }
0xaf: {  	[dreg:$0x2] =	wrdreg s24  }
0xb0: {  	[dreg:$0x3] =	wrdreg s18  }
0xb1: {  	[dreg:$0x4] =	wrdreg s2  }
0xb2: {  	[dreg:$0x5] =	wrdreg $0x9  }
0xb3: {  	_ =	task.clear_ibuf [dreg:s8], $0x6FFFF;
	_ =	strace $0x90000046  }
0xb4: {  	s29 =	simm.s32 $0x9;
	_ =	strace $0x80000048  }
0xb5: {  	_ =	swait.ge [sflag:s29], $0x1  }
0xb6: {  	[sflag:s29] =	ssyncadd.s32 $0xFFFFFFFF  }
0xb7: {  	_ =	strace $0x90000048  }
0xb8: {  	_ =	sfence  }
0xb9: {  	s30 =	sld [smem:$0x0];
	_ =	sdelay $0x2  }
0xba: {  	s31 =	sshll.u32 s1, $0xD;
	s1 =	sshrl.u32 s1, $0x2  }
0xbb: {  	s3 =	sand.u32 $0x4000, s31;
	s1 =	sadd.s32 s1, s30  }
0xbc: {  	s0 =	sor.u32 s3, s0;
	s1 =	sshll.u32 s1, $0x11  }
0xbd: {  	s0 =	sor.u32 s1, s0  }
0xbe: {  	s0 =	sadd.s32 $0x8F2B, s0  }
0xbf: {  	[sflag:s0] =	ssyncadd.remote.s32 $0x1  }
0xc0: {  	_ =	sfence.sel $0xFFFF  }
0xc1: {  	[dreg:$0x0] =	wrdreg $0xFFFFFFFF;
	(pc) =	sbr.abs _section_cstart, $3  }
0xc2: {  	[dreg:$0x1] =	wrdreg $0xFFFFFFFF  }
0xc3: {  	_ =	task.clear_ibuf [dreg:s8], $0x2FFFF;
	_ =	strace $0x9FFFFFFF  }
0xc4: {  	(tm) =	ssettm $0x7FFFFFFF  }
0xc5: {  	_ =	shalt  }
tec
execute0_lowered:
.L_overlay_start_1:
0x0: {  	(tag) =	ssettag $0x1  }
0x1: {  	s0 =	rddreg [dreg:$0x0]  }
0x2: {  	s1 =	rddreg [dreg:$0x1]  }
0x3: {  	s2 =	rddreg [dreg:$0x2];
	s3 =	srdreg.scid  }
0x4: {  	s4 =	stileid.u32;
	s31 =	simm.s32 $0x200;
	s5 =	sand.u32 $0x1, s3  }
0x5: {  	s3 =	simm.s32 $0x0;
	s4 =	sshll.u32 s4, $0x7;
	s9 =	sadd.s32 $0x1000, s0  }
0x6: {  	s10 =	sadd.s32 $0x1100, s0;
	s6 =	sshll.u32 s5, $0x6;
	[smem:$0x7FF] =	sst s3  }
0x7: {  	s5 =	ssub.s32 $0x2, s5;
	s6 =	sor.u32 s6, s4;
	_ =	strace $0x80000047  }
0x8: {  	s4 =	sadd.s32 $0xE00, s0;
	s8 =	sshrl.u32 s5, $0x1;
	[dreg:$0x6] =	wrdreg s31  }
0x9: {  	s7 =	sadd.s32 s6, s0;
	s1 =	sadd.s32 s1, s6;
	s11 =	ssub.s32 s5, s8  }
0xa: {  	v2 =	vlaneseq.u32;
	s5 =	sadd.s32 $0x100, s2;
	s6 =	sadd.s32 $0x200, s2;
	s8 =	sadd.s32 $0xF00, s0  }
0xb: {  	vm0 =	vmmov $0xffff;
	v1 =	vshrl.u32 v2, $0x3;
	s7 =	sadd.s32 $0x600, s7;
	[dreg:$0x5] =	wrdreg s1;
	s26 =	smax.u32 s11, $0x1  }
0xc: {  	v0 =	vand.u32 $0x7, v2;
	v2 =	vor.u32 $0x8, v2;
	v1 =	vmul.u32 $0x8, v1;
	s1 =	simm.s32 $0x2;
	[dreg:$0x4] =	wrdreg s7;
	s7 =	sadd.s32 $0x300, s2  }
.LBB2_1:
0xd: {  	s30 =	rddreg [dreg:$0x4];
	s0 =	simm.s32 $0x5  }
0xe: {  	[tilespmem:s3], [sflag:$0x5] =	stream.linear.gather [hbm4b:s30+s3], $0x200, $0x38;
	[tilespmem:$0x10400] =	vst v63  }
0xf: {  	_ =	swait.ge [sflag:s0], $0x200  }
0x10: {  	s29 =	rddreg [dreg:$0x5];
	[sflag:s0] =	ssyncset.done $0x0  }
0x11: {  	s31 =	rddreg [dreg:$0x6];
	[sflag:s0] =	ssyncadd.s32 $0xFFFFFE00  }
0x12: {  	[tilespmem:s31], [sflag:$0x5] =	stream.linear.gather [hbm4b:s29+s3], $0x200, $0x38;
	[tilespmem:$0x10400] =	vst v63  }
0x13: {  	_ =	swait.ge [sflag:s0], $0x200  }
0x14: {  	[sflag:s0] =	ssyncset.done $0x0  }
0x15: {  	[sflag:s0] =	ssyncadd.s32 $0xFFFFFE00  }
0x16: {  	v3 =	vld [tilespmem:$0x0];
	_ =	sdelay $0x4  }
0x17: {  	v4 =	vshll.u32 v3, $0x3  }
0x18: {  	v3 =	vand.u32 $0x7, v3;
	v4 =	vand.u32 $0xFFFFFFC0, v4  }
0x19: {  	v3 =	vor.u32 v3, v4  }
0x1a: {  	v4 =	vperm.xlane v3, v0;
	_ =	sdelay $0x1  }
0x1b: {  	v4 =	vadd.s32 v1, v4;
	_ =	sdelay $0x3  }
0x1c: {  	s30 =	simm.s32 $0x400  }
0x1d: {  	[tilespmem:s30], [sflag:$0x1] =	stream.indirect_vreg.gather [hbm4b:s2+s3], $0x80, v4, vm0, $0xb8;
	[tilespmem:$0x10400] =	vst v63  }
0x1e: {  	s31 =	simm.s32 $0xC00;
	v3 =	vperm.xlane v3, v2  }
0x1f: {  	[tilespmem:s31], [sflag:$0x1] =	stream.indirect_vreg.gather [hbm4b:s5+s3], $0x80, v4, vm0, $0xb8;
	[tilespmem:$0x10400] =	vst v63  }
0x20: {  	s12 =	simm.s32 $0x1400;
	v3 =	vadd.s32 v1, v3  }
0x21: {  	[tilespmem:s12], [sflag:$0x1] =	stream.indirect_vreg.gather [hbm4b:s6+s3], $0x80, v4, vm0, $0xb8;
	[tilespmem:$0x10400] =	vst v63  }
0x22: {  	s25 =	simm.s32 $0x1C00  }
0x23: {  	[tilespmem:s25], [sflag:$0x1] =	stream.indirect_vreg.gather [hbm4b:s7+s3], $0x80, v4, vm0, $0xb8;
	[tilespmem:$0x10400] =	vst v63  }
0x24: {  	s13 =	simm.s32 $0x2400  }
0x25: {  	[tilespmem:s13], [sflag:$0x1] =	stream.indirect_vreg.gather [hbm4b:s2+s3], $0x80, v3, vm0, $0xb8;
	[tilespmem:$0x10400] =	vst v63  }
0x26: {  	s14 =	simm.s32 $0x2C00  }
0x27: {  	[tilespmem:s14], [sflag:$0x1] =	stream.indirect_vreg.gather [hbm4b:s5+s3], $0x80, v3, vm0, $0xb8;
	[tilespmem:$0x10400] =	vst v63  }
0x28: {  	s15 =	simm.s32 $0x3400  }
0x29: {  	[tilespmem:s15], [sflag:$0x1] =	stream.indirect_vreg.gather [hbm4b:s6+s3], $0x80, v3, vm0, $0xb8;
	[tilespmem:$0x10400] =	vst v63  }
0x2a: {  	s16 =	simm.s32 $0x3C00  }
0x2b: {  	[tilespmem:s16], [sflag:$0x1] =	stream.indirect_vreg.gather [hbm4b:s7+s3], $0x80, v3, vm0, $0xb8;
	[tilespmem:$0x10400] =	vst v63  }
0x2c: {  	v3 =	vld [tilespmem:$0x10];
	_ =	sdelay $0x4  }
0x2d: {  	v49 =	vshll.u32 v3, $0x3  }
0x2e: {  	v3 =	vand.u32 $0x7, v3;
	v4 =	vand.u32 $0xFFFFFFC0, v49  }
0x2f: {  	v3 =	vor.u32 v3, v4  }
0x30: {  	v4 =	vperm.xlane v3, v0;
	_ =	sdelay $0x1  }
0x31: {  	v4 =	vadd.s32 v1, v4;
	_ =	sdelay $0x3  }
0x32: {  	s17 =	simm.s32 $0x4400  }
0x33: {  	[tilespmem:s17], [sflag:$0x1] =	stream.indirect_vreg.gather [hbm4b:s2+s3], $0x80, v4, vm0, $0xb8;
	[tilespmem:$0x10400] =	vst v63  }
0x34: {  	s18 =	simm.s32 $0x4C00;
	v3 =	vperm.xlane v3, v2  }
0x35: {  	[tilespmem:s18], [sflag:$0x1] =	stream.indirect_vreg.gather [hbm4b:s5+s3], $0x80, v4, vm0, $0xb8;
	[tilespmem:$0x10400] =	vst v63  }
0x36: {  	s19 =	simm.s32 $0x5400;
	v3 =	vadd.s32 v1, v3  }
0x37: {  	[tilespmem:s19], [sflag:$0x1] =	stream.indirect_vreg.gather [hbm4b:s6+s3], $0x80, v4, vm0, $0xb8;
	[tilespmem:$0x10400] =	vst v63  }
0x38: {  	s20 =	simm.s32 $0x5C00  }
0x39: {  	[tilespmem:s20], [sflag:$0x1] =	stream.indirect_vreg.gather [hbm4b:s7+s3], $0x80, v4, vm0, $0xb8;
	[tilespmem:$0x10400] =	vst v63  }
0x3a: {  	s21 =	simm.s32 $0x6400  }
0x3b: {  	[tilespmem:s21], [sflag:$0x1] =	stream.indirect_vreg.gather [hbm4b:s2+s3], $0x80, v3, vm0, $0xb8;
	[tilespmem:$0x10400] =	vst v63  }
0x3c: {  	s22 =	simm.s32 $0x6C00  }
0x3d: {  	[tilespmem:s22], [sflag:$0x1] =	stream.indirect_vreg.gather [hbm4b:s5+s3], $0x80, v3, vm0, $0xb8;
	[tilespmem:$0x10400] =	vst v63  }
0x3e: {  	s23 =	simm.s32 $0x7400  }
0x3f: {  	[tilespmem:s23], [sflag:$0x1] =	stream.indirect_vreg.gather [hbm4b:s6+s3], $0x80, v3, vm0, $0xb8;
	[tilespmem:$0x10400] =	vst v63  }
0x40: {  	s24 =	simm.s32 $0x7C00  }
0x41: {  	[tilespmem:s24], [sflag:$0x1] =	stream.indirect_vreg.gather [hbm4b:s7+s3], $0x80, v3, vm0, $0xb8;
	[tilespmem:$0x10400] =	vst v63  }
0x42: {  	v3 =	vld [tilespmem:$0x80];
	_ =	sdelay $0x4  }
0x43: {  	v50 =	vshll.u32 v3, $0x3  }
0x44: {  	v3 =	vand.u32 $0x7, v3;
	v4 =	vand.u32 $0xFFFFFFC0, v50  }
0x45: {  	v3 =	vor.u32 v3, v4  }
0x46: {  	v4 =	vperm.xlane v3, v0;
	_ =	sdelay $0x1  }
0x47: {  	v4 =	vadd.s32 v1, v4;
	_ =	sdelay $0x3  }
0x48: {  	s11 =	simm.s32 $0x8400  }
0x49: {  	[tilespmem:s11], [sflag:$0x2] =	stream.indirect_vreg.gather [hbm4b:s2+s3], $0x80, v4, vm0, $0xb8;
	[tilespmem:$0x10400] =	vst v63  }
0x4a: {  	s28 =	simm.s32 $0x8C00;
	v3 =	vperm.xlane v3, v2  }
0x4b: {  	[tilespmem:s28], [sflag:$0x2] =	stream.indirect_vreg.gather [hbm4b:s5+s3], $0x80, v4, vm0, $0xb8;
	[tilespmem:$0x10400] =	vst v63  }
0x4c: {  	s29 =	simm.s32 $0x9400;
	v3 =	vadd.s32 v1, v3  }
0x4d: {  	[tilespmem:s29], [sflag:$0x2] =	stream.indirect_vreg.gather [hbm4b:s6+s3], $0x80, v4, vm0, $0xb8;
	[tilespmem:$0x10400] =	vst v63  }
0x4e: {  	s29 =	simm.s32 $0x9C00  }
0x4f: {  	[tilespmem:s29], [sflag:$0x2] =	stream.indirect_vreg.gather [hbm4b:s7+s3], $0x80, v4, vm0, $0xb8;
	[tilespmem:$0x10400] =	vst v63  }
0x50: {  	s29 =	simm.s32 $0xA400  }
0x51: {  	[tilespmem:s29], [sflag:$0x2] =	stream.indirect_vreg.gather [hbm4b:s2+s3], $0x80, v3, vm0, $0xb8;
	[tilespmem:$0x10400] =	vst v63  }
0x52: {  	s29 =	simm.s32 $0xAC00  }
0x53: {  	[tilespmem:s29], [sflag:$0x2] =	stream.indirect_vreg.gather [hbm4b:s5+s3], $0x80, v3, vm0, $0xb8;
	[tilespmem:$0x10400] =	vst v63  }
0x54: {  	s29 =	simm.s32 $0xB400  }
0x55: {  	[tilespmem:s29], [sflag:$0x2] =	stream.indirect_vreg.gather [hbm4b:s6+s3], $0x80, v3, vm0, $0xb8;
	[tilespmem:$0x10400] =	vst v63  }
0x56: {  	s29 =	simm.s32 $0xBC00  }
0x57: {  	[tilespmem:s29], [sflag:$0x2] =	stream.indirect_vreg.gather [hbm4b:s7+s3], $0x80, v3, vm0, $0xb8;
	[tilespmem:$0x10400] =	vst v63  }
0x58: {  	v3 =	vld [tilespmem:$0x90];
	_ =	sdelay $0x4  }
0x59: {  	v51 =	vshll.u32 v3, $0x3  }
0x5a: {  	v3 =	vand.u32 $0x7, v3;
	v4 =	vand.u32 $0xFFFFFFC0, v51  }
0x5b: {  	v3 =	vor.u32 v3, v4  }
0x5c: {  	v4 =	vperm.xlane v3, v0;
	_ =	sdelay $0x1  }
0x5d: {  	v4 =	vadd.s32 v1, v4;
	_ =	sdelay $0x3  }
0x5e: {  	s0 =	simm.s32 $0xC400  }
0x5f: {  	[tilespmem:s0], [sflag:$0x2] =	stream.indirect_vreg.gather [hbm4b:s2+s3], $0x80, v4, vm0, $0xb8;
	[tilespmem:$0x10400] =	vst v63  }
0x60: {  	v3 =	vperm.xlane v3, v2;
	s0 =	simm.s32 $0xCC00  }
0x61: {  	[tilespmem:s0], [sflag:$0x2] =	stream.indirect_vreg.gather [hbm4b:s5+s3], $0x80, v4, vm0, $0xb8;
	[tilespmem:$0x10400] =	vst v63  }
0x62: {  	v3 =	vadd.s32 v1, v3;
	s0 =	simm.s32 $0xD400  }
0x63: {  	[tilespmem:s0], [sflag:$0x2] =	stream.indirect_vreg.gather [hbm4b:s6+s3], $0x80, v4, vm0, $0xb8;
	[tilespmem:$0x10400] =	vst v63  }
0x64: {  	s0 =	simm.s32 $0xDC00  }
0x65: {  	[tilespmem:s0], [sflag:$0x2] =	stream.indirect_vreg.gather [hbm4b:s7+s3], $0x80, v4, vm0, $0xb8;
	[tilespmem:$0x10400] =	vst v63  }
0x66: {  	s0 =	simm.s32 $0xE400  }
0x67: {  	[tilespmem:s0], [sflag:$0x2] =	stream.indirect_vreg.gather [hbm4b:s2+s3], $0x80, v3, vm0, $0xb8;
	[tilespmem:$0x10400] =	vst v63  }
0x68: {  	s0 =	simm.s32 $0xEC00  }
0x69: {  	[tilespmem:s0], [sflag:$0x2] =	stream.indirect_vreg.gather [hbm4b:s5+s3], $0x80, v3, vm0, $0xb8;
	[tilespmem:$0x10400] =	vst v63  }
0x6a: {  	s0 =	simm.s32 $0xF400  }
0x6b: {  	[tilespmem:s0], [sflag:$0x2] =	stream.indirect_vreg.gather [hbm4b:s6+s3], $0x80, v3, vm0, $0xb8;
	[tilespmem:$0x10400] =	vst v63  }
0x6c: {  	s0 =	simm.s32 $0xFC00  }
0x6d: {  	[tilespmem:s0], [sflag:$0x2] =	stream.indirect_vreg.gather [hbm4b:s7+s3], $0x80, v3, vm0, $0xb8;
	[tilespmem:$0x10400] =	vst v63  }
0x6e: {  	s0 =	simm.s32 $0x1  }
0x6f: {  	_ =	swait.ge [sflag:s0], $0x8000  }
0x70: {  	[sflag:s0] =	ssyncset.done $0x0  }
0x71: {  	[sflag:s0] =	ssyncadd.s32 $0xFFFF8000  }
0x72: {  	v3 =	vld [tilespmem:$0x200];
	_ =	sdelay $0x4  }
0x73: {  	v52 =	vshll.u32 v3, $0x3  }
0x74: {  	v3 =	vand.u32 $0x7, v3;
	v4 =	vand.u32 $0xFFFFFFC0, v52  }
0x75: {  	v3 =	vor.u32 v3, v4  }
0x76: {  	v4 =	vperm.xlane v3, v0;
	_ =	sdelay $0x1  }
0x77: {  	v4 =	vadd.s32 v1, v4;
	_ =	sdelay $0x4  }
0x78: {  	[hbm4b:s4+s3] =	stream.indirect_vreg.scatter [tilespmem:s30], [sflag:$0x3], $0x80, v4, vm0, $0xb8;
	[tilespmem:$0x10400] =	vst v63  }
0x79: {  	v3 =	vperm.xlane v3, v2  }
0x7a: {  	[hbm4b:s8+s3] =	stream.indirect_vreg.scatter [tilespmem:s31], [sflag:$0x3], $0x80, v4, vm0, $0xb8;
	[tilespmem:$0x10400] =	vst v63  }
0x7b: {  	v3 =	vadd.s32 v1, v3  }
0x7c: {  	[hbm4b:s9+s3] =	stream.indirect_vreg.scatter [tilespmem:s12], [sflag:$0x3], $0x80, v4, vm0, $0xb8;
	[tilespmem:$0x10400] =	vst v63  }
0x7d: {  	_ = 	snop  }
0x7e: {  	[hbm4b:s10+s3] =	stream.indirect_vreg.scatter [tilespmem:s25], [sflag:$0x3], $0x80, v4, vm0, $0xb8;
	[tilespmem:$0x10400] =	vst v63  }
0x7f: {  	_ = 	snop  }
0x80: {  	[hbm4b:s4+s3] =	stream.indirect_vreg.scatter [tilespmem:s13], [sflag:$0x3], $0x80, v3, vm0, $0xb8;
	[tilespmem:$0x10400] =	vst v63  }
0x81: {  	_ = 	snop  }
0x82: {  	[hbm4b:s8+s3] =	stream.indirect_vreg.scatter [tilespmem:s14], [sflag:$0x3], $0x80, v3, vm0, $0xb8;
	[tilespmem:$0x10400] =	vst v63  }
0x83: {  	_ = 	snop  }
0x84: {  	[hbm4b:s9+s3] =	stream.indirect_vreg.scatter [tilespmem:s15], [sflag:$0x3], $0x80, v3, vm0, $0xb8;
	[tilespmem:$0x10400] =	vst v63  }
0x85: {  	_ = 	snop  }
0x86: {  	[hbm4b:s10+s3] =	stream.indirect_vreg.scatter [tilespmem:s16], [sflag:$0x3], $0x80, v3, vm0, $0xb8;
	[tilespmem:$0x10400] =	vst v63  }
0x87: {  	v3 =	vld [tilespmem:$0x210];
	_ =	sdelay $0x4  }
0x88: {  	v53 =	vshll.u32 v3, $0x3  }
0x89: {  	v3 =	vand.u32 $0x7, v3;
	v4 =	vand.u32 $0xFFFFFFC0, v53  }
0x8a: {  	v3 =	vor.u32 v3, v4  }
0x8b: {  	v4 =	vperm.xlane v3, v0;
	_ =	sdelay $0x1  }
0x8c: {  	v4 =	vadd.s32 v1, v4;
	_ =	sdelay $0x4  }
0x8d: {  	[hbm4b:s4+s3] =	stream.indirect_vreg.scatter [tilespmem:s17], [sflag:$0x3], $0x80, v4, vm0, $0xb8;
	[tilespmem:$0x10400] =	vst v63  }
0x8e: {  	v3 =	vperm.xlane v3, v2  }
0x8f: {  	[hbm4b:s8+s3] =	stream.indirect_vreg.scatter [tilespmem:s18], [sflag:$0x3], $0x80, v4, vm0, $0xb8;
	[tilespmem:$0x10400] =	vst v63  }
0x90: {  	v3 =	vadd.s32 v1, v3  }
0x91: {  	[hbm4b:s9+s3] =	stream.indirect_vreg.scatter [tilespmem:s19], [sflag:$0x3], $0x80, v4, vm0, $0xb8;
	[tilespmem:$0x10400] =	vst v63  }
0x92: {  	_ = 	snop  }
0x93: {  	[hbm4b:s10+s3] =	stream.indirect_vreg.scatter [tilespmem:s20], [sflag:$0x3], $0x80, v4, vm0, $0xb8;
	[tilespmem:$0x10400] =	vst v63  }
0x94: {  	_ = 	snop  }
0x95: {  	[hbm4b:s4+s3] =	stream.indirect_vreg.scatter [tilespmem:s21], [sflag:$0x3], $0x80, v3, vm0, $0xb8;
	[tilespmem:$0x10400] =	vst v63  }
0x96: {  	_ = 	snop  }
0x97: {  	[hbm4b:s8+s3] =	stream.indirect_vreg.scatter [tilespmem:s22], [sflag:$0x3], $0x80, v3, vm0, $0xb8;
	[tilespmem:$0x10400] =	vst v63  }
0x98: {  	_ = 	snop  }
0x99: {  	[hbm4b:s9+s3] =	stream.indirect_vreg.scatter [tilespmem:s23], [sflag:$0x3], $0x80, v3, vm0, $0xb8;
	[tilespmem:$0x10400] =	vst v63  }
0x9a: {  	_ = 	snop  }
0x9b: {  	[hbm4b:s10+s3] =	stream.indirect_vreg.scatter [tilespmem:s24], [sflag:$0x3], $0x80, v3, vm0, $0xb8;
	[tilespmem:$0x10400] =	vst v63  }
0x9c: {  	_ =	swait.ge [sflag:s1], $0x8000  }
0x9d: {  	[sflag:s1] =	ssyncset.done $0x0  }
0x9e: {  	[sflag:s1] =	ssyncadd.s32 $0xFFFF8000  }
0x9f: {  	v3 =	vld [tilespmem:$0x280];
	_ =	sdelay $0x4  }
0xa0: {  	v54 =	vshll.u32 v3, $0x3  }
0xa1: {  	v3 =	vand.u32 $0x7, v3;
	v4 =	vand.u32 $0xFFFFFFC0, v54  }
0xa2: {  	v3 =	vor.u32 v3, v4  }
0xa3: {  	v4 =	vperm.xlane v3, v0;
	_ =	sdelay $0x1  }
0xa4: {  	v4 =	vadd.s32 v1, v4;
	_ =	sdelay $0x3  }
0xa5: {  	s11 =	simm.s32 $0x8400  }
0xa6: {  	[hbm4b:s4+s3] =	stream.indirect_vreg.scatter [tilespmem:s11], [sflag:$0x4], $0x80, v4, vm0, $0xb8;
	[tilespmem:$0x10400] =	vst v63  }
0xa7: {  	s28 =	simm.s32 $0x8C00;
	v3 =	vperm.xlane v3, v2  }
0xa8: {  	[hbm4b:s8+s3] =	stream.indirect_vreg.scatter [tilespmem:s28], [sflag:$0x4], $0x80, v4, vm0, $0xb8;
	[tilespmem:$0x10400] =	vst v63  }
0xa9: {  	v3 =	vadd.s32 v1, v3;
	s28 =	simm.s32 $0x9400  }
0xaa: {  	[hbm4b:s9+s3] =	stream.indirect_vreg.scatter [tilespmem:s28], [sflag:$0x4], $0x80, v4, vm0, $0xb8;
	[tilespmem:$0x10400] =	vst v63  }
0xab: {  	s28 =	simm.s32 $0x9C00  }
0xac: {  	[hbm4b:s10+s3] =	stream.indirect_vreg.scatter [tilespmem:s28], [sflag:$0x4], $0x80, v4, vm0, $0xb8;
	[tilespmem:$0x10400] =	vst v63  }
0xad: {  	s28 =	simm.s32 $0xA400  }
0xae: {  	[hbm4b:s4+s3] =	stream.indirect_vreg.scatter [tilespmem:s28], [sflag:$0x4], $0x80, v3, vm0, $0xb8;
	[tilespmem:$0x10400] =	vst v63  }
0xaf: {  	s28 =	simm.s32 $0xAC00  }
0xb0: {  	[hbm4b:s8+s3] =	stream.indirect_vreg.scatter [tilespmem:s28], [sflag:$0x4], $0x80, v3, vm0, $0xb8;
	[tilespmem:$0x10400] =	vst v63  }
0xb1: {  	s28 =	simm.s32 $0xB400  }
0xb2: {  	[hbm4b:s9+s3] =	stream.indirect_vreg.scatter [tilespmem:s28], [sflag:$0x4], $0x80, v3, vm0, $0xb8;
	[tilespmem:$0x10400] =	vst v63  }
0xb3: {  	s29 =	simm.s32 $0xBC00  }
0xb4: {  	[hbm4b:s10+s3] =	stream.indirect_vreg.scatter [tilespmem:s29], [sflag:$0x4], $0x80, v3, vm0, $0xb8;
	[tilespmem:$0x10400] =	vst v63  }
0xb5: {  	v3 =	vld [tilespmem:$0x290];
	_ =	sdelay $0x4  }
0xb6: {  	v55 =	vshll.u32 v3, $0x3  }
0xb7: {  	v3 =	vand.u32 $0x7, v3;
	v4 =	vand.u32 $0xFFFFFFC0, v55  }
0xb8: {  	v3 =	vor.u32 v3, v4  }
0xb9: {  	v4 =	vperm.xlane v3, v0;
	_ =	sdelay $0x1  }
0xba: {  	v4 =	vadd.s32 v1, v4;
	_ =	sdelay $0x3  }
0xbb: {  	s29 =	simm.s32 $0xC400  }
0xbc: {  	[hbm4b:s4+s3] =	stream.indirect_vreg.scatter [tilespmem:s29], [sflag:$0x4], $0x80, v4, vm0, $0xb8;
	[tilespmem:$0x10400] =	vst v63  }
0xbd: {  	v3 =	vperm.xlane v3, v2;
	s29 =	simm.s32 $0xCC00  }
0xbe: {  	[hbm4b:s8+s3] =	stream.indirect_vreg.scatter [tilespmem:s29], [sflag:$0x4], $0x80, v4, vm0, $0xb8;
	[tilespmem:$0x10400] =	vst v63  }
0xbf: {  	v3 =	vadd.s32 v1, v3;
	s29 =	simm.s32 $0xD400  }
0xc0: {  	[hbm4b:s9+s3] =	stream.indirect_vreg.scatter [tilespmem:s29], [sflag:$0x4], $0x80, v4, vm0, $0xb8;
	[tilespmem:$0x10400] =	vst v63  }
0xc1: {  	s11 =	simm.s32 $0xDC00  }
0xc2: {  	[hbm4b:s10+s3] =	stream.indirect_vreg.scatter [tilespmem:s11], [sflag:$0x4], $0x80, v4, vm0, $0xb8;
	[tilespmem:$0x10400] =	vst v63  }
0xc3: {  	s11 =	simm.s32 $0xE400  }
0xc4: {  	[hbm4b:s4+s3] =	stream.indirect_vreg.scatter [tilespmem:s11], [sflag:$0x4], $0x80, v3, vm0, $0xb8;
	[tilespmem:$0x10400] =	vst v63  }
0xc5: {  	s11 =	simm.s32 $0xEC00  }
0xc6: {  	[hbm4b:s8+s3] =	stream.indirect_vreg.scatter [tilespmem:s11], [sflag:$0x4], $0x80, v3, vm0, $0xb8;
	[tilespmem:$0x10400] =	vst v63  }
0xc7: {  	s11 =	simm.s32 $0xF400  }
0xc8: {  	[hbm4b:s9+s3] =	stream.indirect_vreg.scatter [tilespmem:s11], [sflag:$0x4], $0x80, v3, vm0, $0xb8;
	[tilespmem:$0x10400] =	vst v63  }
0xc9: {  	s11 =	simm.s32 $0xFC00  }
0xca: {  	[hbm4b:s10+s3] =	stream.indirect_vreg.scatter [tilespmem:s11], [sflag:$0x4], $0x80, v3, vm0, $0xb8;
	[tilespmem:$0x10400] =	vst v63  }
0xcb: {  	s11 =	simm.s32 $0x3  }
0xcc: {  	_ =	swait.ge [sflag:s11], $0x8000  }
0xcd: {  	[sflag:s11] =	ssyncset.done $0x0  }
0xce: {  	[sflag:s11] =	ssyncadd.s32 $0xFFFF8000  }
0xcf: {  	v3 =	vld [tilespmem:$0x100];
	_ =	sdelay $0x4  }
0xd0: {  	v56 =	vshll.u32 v3, $0x3  }
0xd1: {  	v3 =	vand.u32 $0x7, v3;
	v4 =	vand.u32 $0xFFFFFFC0, v56  }
0xd2: {  	v3 =	vor.u32 v3, v4  }
0xd3: {  	v4 =	vperm.xlane v3, v0;
	_ =	sdelay $0x1  }
0xd4: {  	v4 =	vadd.s32 v1, v4;
	_ =	sdelay $0x4  }
0xd5: {  	[tilespmem:s30], [sflag:$0x1] =	stream.indirect_vreg.gather [hbm4b:s2+s3], $0x80, v4, vm0, $0xb8;
	[tilespmem:$0x10400] =	vst v63  }
0xd6: {  	v3 =	vperm.xlane v3, v2  }
0xd7: {  	[tilespmem:s31], [sflag:$0x1] =	stream.indirect_vreg.gather [hbm4b:s5+s3], $0x80, v4, vm0, $0xb8;
	[tilespmem:$0x10400] =	vst v63  }
0xd8: {  	v3 =	vadd.s32 v1, v3  }
0xd9: {  	[tilespmem:s12], [sflag:$0x1] =	stream.indirect_vreg.gather [hbm4b:s6+s3], $0x80, v4, vm0, $0xb8;
	[tilespmem:$0x10400] =	vst v63  }
0xda: {  	_ = 	snop  }
0xdb: {  	[tilespmem:s25], [sflag:$0x1] =	stream.indirect_vreg.gather [hbm4b:s7+s3], $0x80, v4, vm0, $0xb8;
	[tilespmem:$0x10400] =	vst v63  }
0xdc: {  	_ = 	snop  }
0xdd: {  	[tilespmem:s13], [sflag:$0x1] =	stream.indirect_vreg.gather [hbm4b:s2+s3], $0x80, v3, vm0, $0xb8;
	[tilespmem:$0x10400] =	vst v63  }
0xde: {  	_ = 	snop  }
0xdf: {  	[tilespmem:s14], [sflag:$0x1] =	stream.indirect_vreg.gather [hbm4b:s5+s3], $0x80, v3, vm0, $0xb8;
	[tilespmem:$0x10400] =	vst v63  }
0xe0: {  	_ = 	snop  }
0xe1: {  	[tilespmem:s15], [sflag:$0x1] =	stream.indirect_vreg.gather [hbm4b:s6+s3], $0x80, v3, vm0, $0xb8;
	[tilespmem:$0x10400] =	vst v63  }
0xe2: {  	_ = 	snop  }
0xe3: {  	[tilespmem:s16], [sflag:$0x1] =	stream.indirect_vreg.gather [hbm4b:s7+s3], $0x80, v3, vm0, $0xb8;
	[tilespmem:$0x10400] =	vst v63  }
0xe4: {  	v3 =	vld [tilespmem:$0x110];
	_ =	sdelay $0x4  }
0xe5: {  	v57 =	vshll.u32 v3, $0x3  }
0xe6: {  	v3 =	vand.u32 $0x7, v3;
	v4 =	vand.u32 $0xFFFFFFC0, v57  }
0xe7: {  	v3 =	vor.u32 v3, v4  }
0xe8: {  	v4 =	vperm.xlane v3, v0;
	_ =	sdelay $0x1  }
0xe9: {  	v4 =	vadd.s32 v1, v4;
	_ =	sdelay $0x4  }
0xea: {  	[tilespmem:s17], [sflag:$0x1] =	stream.indirect_vreg.gather [hbm4b:s2+s3], $0x80, v4, vm0, $0xb8;
	[tilespmem:$0x10400] =	vst v63  }
0xeb: {  	v3 =	vperm.xlane v3, v2  }
0xec: {  	[tilespmem:s18], [sflag:$0x1] =	stream.indirect_vreg.gather [hbm4b:s5+s3], $0x80, v4, vm0, $0xb8;
	[tilespmem:$0x10400] =	vst v63  }
0xed: {  	v3 =	vadd.s32 v1, v3  }
0xee: {  	[tilespmem:s19], [sflag:$0x1] =	stream.indirect_vreg.gather [hbm4b:s6+s3], $0x80, v4, vm0, $0xb8;
	[tilespmem:$0x10400] =	vst v63  }
0xef: {  	_ = 	snop  }
0xf0: {  	[tilespmem:s20], [sflag:$0x1] =	stream.indirect_vreg.gather [hbm4b:s7+s3], $0x80, v4, vm0, $0xb8;
	[tilespmem:$0x10400] =	vst v63  }
0xf1: {  	_ = 	snop  }
0xf2: {  	[tilespmem:s21], [sflag:$0x1] =	stream.indirect_vreg.gather [hbm4b:s2+s3], $0x80, v3, vm0, $0xb8;
	[tilespmem:$0x10400] =	vst v63  }
0xf3: {  	_ = 	snop  }
0xf4: {  	[tilespmem:s22], [sflag:$0x1] =	stream.indirect_vreg.gather [hbm4b:s5+s3], $0x80, v3, vm0, $0xb8;
	[tilespmem:$0x10400] =	vst v63  }
0xf5: {  	_ = 	snop  }
0xf6: {  	[tilespmem:s23], [sflag:$0x1] =	stream.indirect_vreg.gather [hbm4b:s6+s3], $0x80, v3, vm0, $0xb8;
	[tilespmem:$0x10400] =	vst v63  }
0xf7: {  	_ = 	snop  }
0xf8: {  	[tilespmem:s24], [sflag:$0x1] =	stream.indirect_vreg.gather [hbm4b:s7+s3], $0x80, v3, vm0, $0xb8;
	[tilespmem:$0x10400] =	vst v63  }
0xf9: {  	_ =	swait.ge [sflag:s0], $0x8000  }
0xfa: {  	[sflag:s0] =	ssyncset.done $0x0  }
0xfb: {  	[sflag:s0] =	ssyncadd.s32 $0xFFFF8000  }
0xfc: {  	v3 =	vld [tilespmem:$0x300];
	_ =	sdelay $0x4  }
0xfd: {  	v58 =	vshll.u32 v3, $0x3  }
0xfe: {  	v3 =	vand.u32 $0x7, v3;
	v4 =	vand.u32 $0xFFFFFFC0, v58  }
0xff: {  	v3 =	vor.u32 v3, v4  }
0x100: {  	v4 =	vperm.xlane v3, v0;
	_ =	sdelay $0x1  }
0x101: {  	v4 =	vadd.s32 v1, v4;
	_ =	sdelay $0x4  }
0x102: {  	[hbm4b:s4+s3] =	stream.indirect_vreg.scatter [tilespmem:s30], [sflag:$0x3], $0x80, v4, vm0, $0xb8;
	[tilespmem:$0x10400] =	vst v63  }
0x103: {  	v3 =	vperm.xlane v3, v2  }
0x104: {  	[hbm4b:s8+s3] =	stream.indirect_vreg.scatter [tilespmem:s31], [sflag:$0x3], $0x80, v4, vm0, $0xb8;
	[tilespmem:$0x10400] =	vst v63  }
0x105: {  	v3 =	vadd.s32 v1, v3  }
0x106: {  	[hbm4b:s9+s3] =	stream.indirect_vreg.scatter [tilespmem:s12], [sflag:$0x3], $0x80, v4, vm0, $0xb8;
	[tilespmem:$0x10400] =	vst v63  }
0x107: {  	_ = 	snop  }
0x108: {  	[hbm4b:s10+s3] =	stream.indirect_vreg.scatter [tilespmem:s25], [sflag:$0x3], $0x80, v4, vm0, $0xb8;
	[tilespmem:$0x10400] =	vst v63  }
0x109: {  	_ = 	snop  }
0x10a: {  	[hbm4b:s4+s3] =	stream.indirect_vreg.scatter [tilespmem:s13], [sflag:$0x3], $0x80, v3, vm0, $0xb8;
	[tilespmem:$0x10400] =	vst v63  }
0x10b: {  	_ = 	snop  }
0x10c: {  	[hbm4b:s8+s3] =	stream.indirect_vreg.scatter [tilespmem:s14], [sflag:$0x3], $0x80, v3, vm0, $0xb8;
	[tilespmem:$0x10400] =	vst v63  }
0x10d: {  	_ = 	snop  }
0x10e: {  	[hbm4b:s9+s3] =	stream.indirect_vreg.scatter [tilespmem:s15], [sflag:$0x3], $0x80, v3, vm0, $0xb8;
	[tilespmem:$0x10400] =	vst v63  }
0x10f: {  	_ = 	snop  }
0x110: {  	[hbm4b:s10+s3] =	stream.indirect_vreg.scatter [tilespmem:s16], [sflag:$0x3], $0x80, v3, vm0, $0xb8;
	[tilespmem:$0x10400] =	vst v63  }
0x111: {  	v3 =	vld [tilespmem:$0x310];
	_ =	sdelay $0x4  }
0x112: {  	v59 =	vshll.u32 v3, $0x3  }
0x113: {  	v3 =	vand.u32 $0x7, v3;
	v4 =	vand.u32 $0xFFFFFFC0, v59  }
0x114: {  	v3 =	vor.u32 v3, v4  }
0x115: {  	v4 =	vperm.xlane v3, v0;
	_ =	sdelay $0x1  }
0x116: {  	v4 =	vadd.s32 v1, v4;
	_ =	sdelay $0x4  }
0x117: {  	[hbm4b:s4+s3] =	stream.indirect_vreg.scatter [tilespmem:s17], [sflag:$0x3], $0x80, v4, vm0, $0xb8;
	[tilespmem:$0x10400] =	vst v63  }
0x118: {  	v3 =	vperm.xlane v3, v2  }
0x119: {  	[hbm4b:s8+s3] =	stream.indirect_vreg.scatter [tilespmem:s18], [sflag:$0x3], $0x80, v4, vm0, $0xb8;
	[tilespmem:$0x10400] =	vst v63  }
0x11a: {  	v3 =	vadd.s32 v1, v3  }
0x11b: {  	[hbm4b:s9+s3] =	stream.indirect_vreg.scatter [tilespmem:s19], [sflag:$0x3], $0x80, v4, vm0, $0xb8;
	[tilespmem:$0x10400] =	vst v63  }
0x11c: {  	_ = 	snop  }
0x11d: {  	[hbm4b:s10+s3] =	stream.indirect_vreg.scatter [tilespmem:s20], [sflag:$0x3], $0x80, v4, vm0, $0xb8;
	[tilespmem:$0x10400] =	vst v63  }
0x11e: {  	_ = 	snop  }
0x11f: {  	[hbm4b:s4+s3] =	stream.indirect_vreg.scatter [tilespmem:s21], [sflag:$0x3], $0x80, v3, vm0, $0xb8;
	[tilespmem:$0x10400] =	vst v63  }
0x120: {  	_ = 	snop  }
0x121: {  	[hbm4b:s8+s3] =	stream.indirect_vreg.scatter [tilespmem:s22], [sflag:$0x3], $0x80, v3, vm0, $0xb8;
	[tilespmem:$0x10400] =	vst v63  }
0x122: {  	_ = 	snop  }
0x123: {  	[hbm4b:s9+s3] =	stream.indirect_vreg.scatter [tilespmem:s23], [sflag:$0x3], $0x80, v3, vm0, $0xb8;
	[tilespmem:$0x10400] =	vst v63  }
0x124: {  	s0 =	simm.s32 $0x4  }
0x125: {  	[hbm4b:s10+s3] =	stream.indirect_vreg.scatter [tilespmem:s24], [sflag:$0x3], $0x80, v3, vm0, $0xb8;
	[tilespmem:$0x10400] =	vst v63  }
0x126: {  	_ =	swait.ge [sflag:s0], $0x8000  }
0x127: {  	[sflag:s0] =	ssyncset.done $0x0  }
0x128: {  	[sflag:s0] =	ssyncadd.s32 $0xFFFF8000  }
0x129: {  	v3 =	vld [tilespmem:$0x180];
	_ =	sdelay $0x4  }
0x12a: {  	v60 =	vshll.u32 v3, $0x3  }
0x12b: {  	v3 =	vand.u32 $0x7, v3;
	v4 =	vand.u32 $0xFFFFFFC0, v60  }
0x12c: {  	v3 =	vor.u32 v3, v4  }
0x12d: {  	v4 =	vperm.xlane v3, v0;
	_ =	sdelay $0x1  }
0x12e: {  	v4 =	vadd.s32 v1, v4;
	_ =	sdelay $0x3  }
0x12f: {  	s13 =	simm.s32 $0x8400  }
0x130: {  	[tilespmem:s13], [sflag:$0x2] =	stream.indirect_vreg.gather [hbm4b:s2+s3], $0x80, v4, vm0, $0xb8;
	[tilespmem:$0x10400] =	vst v63  }
0x131: {  	s14 =	simm.s32 $0x8C00;
	v3 =	vperm.xlane v3, v2  }
0x132: {  	[tilespmem:s14], [sflag:$0x2] =	stream.indirect_vreg.gather [hbm4b:s5+s3], $0x80, v4, vm0, $0xb8;
	[tilespmem:$0x10400] =	vst v63  }
0x133: {  	s19 =	simm.s32 $0x9400;
	v3 =	vadd.s32 v1, v3  }
0x134: {  	[tilespmem:s19], [sflag:$0x2] =	stream.indirect_vreg.gather [hbm4b:s6+s3], $0x80, v4, vm0, $0xb8;
	[tilespmem:$0x10400] =	vst v63  }
0x135: {  	s20 =	simm.s32 $0x9C00  }
0x136: {  	[tilespmem:s20], [sflag:$0x2] =	stream.indirect_vreg.gather [hbm4b:s7+s3], $0x80, v4, vm0, $0xb8;
	[tilespmem:$0x10400] =	vst v63  }
0x137: {  	s23 =	simm.s32 $0xA400  }
0x138: {  	[tilespmem:s23], [sflag:$0x2] =	stream.indirect_vreg.gather [hbm4b:s2+s3], $0x80, v3, vm0, $0xb8;
	[tilespmem:$0x10400] =	vst v63  }
0x139: {  	s24 =	simm.s32 $0xAC00  }
0x13a: {  	[tilespmem:s24], [sflag:$0x2] =	stream.indirect_vreg.gather [hbm4b:s5+s3], $0x80, v3, vm0, $0xb8;
	[tilespmem:$0x10400] =	vst v63  }
0x13b: {  	s28 =	simm.s32 $0xB400  }
0x13c: {  	[tilespmem:s28], [sflag:$0x2] =	stream.indirect_vreg.gather [hbm4b:s6+s3], $0x80, v3, vm0, $0xb8;
	[tilespmem:$0x10400] =	vst v63  }
0x13d: {  	s25 =	simm.s32 $0xBC00  }
0x13e: {  	[tilespmem:s25], [sflag:$0x2] =	stream.indirect_vreg.gather [hbm4b:s7+s3], $0x80, v3, vm0, $0xb8;
	[tilespmem:$0x10400] =	vst v63  }
0x13f: {  	v3 =	vld [tilespmem:$0x190];
	_ =	sdelay $0x4  }
0x140: {  	v61 =	vshll.u32 v3, $0x3  }
0x141: {  	v3 =	vand.u32 $0x7, v3;
	v4 =	vand.u32 $0xFFFFFFC0, v61  }
0x142: {  	v3 =	vor.u32 v3, v4  }
0x143: {  	v4 =	vperm.xlane v3, v0;
	_ =	sdelay $0x1  }
0x144: {  	v4 =	vadd.s32 v1, v4;
	_ =	sdelay $0x3  }
0x145: {  	s12 =	simm.s32 $0xC400  }
0x146: {  	[tilespmem:s12], [sflag:$0x2] =	stream.indirect_vreg.gather [hbm4b:s2+s3], $0x80, v4, vm0, $0xb8;
	[tilespmem:$0x10400] =	vst v63  }
0x147: {  	s15 =	simm.s32 $0xCC00;
	v3 =	vperm.xlane v3, v2  }
0x148: {  	[tilespmem:s15], [sflag:$0x2] =	stream.indirect_vreg.gather [hbm4b:s5+s3], $0x80, v4, vm0, $0xb8;
	[tilespmem:$0x10400] =	vst v63  }
0x149: {  	s29 =	simm.s32 $0xD400;
	v3 =	vadd.s32 v1, v3  }
0x14a: {  	[tilespmem:s29], [sflag:$0x2] =	stream.indirect_vreg.gather [hbm4b:s6+s3], $0x80, v4, vm0, $0xb8;
	[tilespmem:$0x10400] =	vst v63  }
0x14b: {  	s16 =	simm.s32 $0xDC00  }
0x14c: {  	[tilespmem:s16], [sflag:$0x2] =	stream.indirect_vreg.gather [hbm4b:s7+s3], $0x80, v4, vm0, $0xb8;
	[tilespmem:$0x10400] =	vst v63  }
0x14d: {  	s17 =	simm.s32 $0xE400  }
0x14e: {  	[tilespmem:s17], [sflag:$0x2] =	stream.indirect_vreg.gather [hbm4b:s2+s3], $0x80, v3, vm0, $0xb8;
	[tilespmem:$0x10400] =	vst v63  }
0x14f: {  	s18 =	simm.s32 $0xEC00  }
0x150: {  	[tilespmem:s18], [sflag:$0x2] =	stream.indirect_vreg.gather [hbm4b:s5+s3], $0x80, v3, vm0, $0xb8;
	[tilespmem:$0x10400] =	vst v63  }
0x151: {  	s30 =	simm.s32 $0xF400  }
0x152: {  	[tilespmem:s30], [sflag:$0x2] =	stream.indirect_vreg.gather [hbm4b:s6+s3], $0x80, v3, vm0, $0xb8;
	[tilespmem:$0x10400] =	vst v63  }
0x153: {  	s31 =	simm.s32 $0xFC00  }
0x154: {  	[tilespmem:s31], [sflag:$0x2] =	stream.indirect_vreg.gather [hbm4b:s7+s3], $0x80, v3, vm0, $0xb8;
	[tilespmem:$0x10400] =	vst v63  }
0x155: {  	_ =	swait.ge [sflag:s1], $0x8000  }
0x156: {  	[sflag:s1] =	ssyncset.done $0x0  }
0x157: {  	[sflag:s1] =	ssyncadd.s32 $0xFFFF8000  }
0x158: {  	v3 =	vld [tilespmem:$0x380];
	_ =	sdelay $0x4  }
0x159: {  	v62 =	vshll.u32 v3, $0x3  }
0x15a: {  	v3 =	vand.u32 $0x7, v3;
	v4 =	vand.u32 $0xFFFFFFC0, v62  }
0x15b: {  	v3 =	vor.u32 v3, v4  }
0x15c: {  	v4 =	vperm.xlane v3, v0;
	_ =	sdelay $0x1  }
0x15d: {  	v4 =	vadd.s32 v1, v4;
	_ =	sdelay $0x4  }
0x15e: {  	[hbm4b:s4+s3] =	stream.indirect_vreg.scatter [tilespmem:s13], [sflag:$0x4], $0x80, v4, vm0, $0xb8;
	[tilespmem:$0x10400] =	vst v63  }
0x15f: {  	v3 =	vperm.xlane v3, v2  }
0x160: {  	[hbm4b:s8+s3] =	stream.indirect_vreg.scatter [tilespmem:s14], [sflag:$0x4], $0x80, v4, vm0, $0xb8;
	[tilespmem:$0x10400] =	vst v63  }
0x161: {  	v3 =	vadd.s32 v1, v3  }
0x162: {  	[hbm4b:s9+s3] =	stream.indirect_vreg.scatter [tilespmem:s19], [sflag:$0x4], $0x80, v4, vm0, $0xb8;
	[tilespmem:$0x10400] =	vst v63  }
0x163: {  	_ = 	snop  }
0x164: {  	[hbm4b:s10+s3] =	stream.indirect_vreg.scatter [tilespmem:s20], [sflag:$0x4], $0x80, v4, vm0, $0xb8;
	[tilespmem:$0x10400] =	vst v63  }
0x165: {  	_ = 	snop  }
0x166: {  	[hbm4b:s4+s3] =	stream.indirect_vreg.scatter [tilespmem:s23], [sflag:$0x4], $0x80, v3, vm0, $0xb8;
	[tilespmem:$0x10400] =	vst v63  }
0x167: {  	_ = 	snop  }
0x168: {  	[hbm4b:s8+s3] =	stream.indirect_vreg.scatter [tilespmem:s24], [sflag:$0x4], $0x80, v3, vm0, $0xb8;
	[tilespmem:$0x10400] =	vst v63  }
0x169: {  	_ = 	snop  }
0x16a: {  	[hbm4b:s9+s3] =	stream.indirect_vreg.scatter [tilespmem:s28], [sflag:$0x4], $0x80, v3, vm0, $0xb8;
	[tilespmem:$0x10400] =	vst v63  }
0x16b: {  	_ = 	snop  }
0x16c: {  	[hbm4b:s10+s3] =	stream.indirect_vreg.scatter [tilespmem:s25], [sflag:$0x4], $0x80, v3, vm0, $0xb8;
	[tilespmem:$0x10400] =	vst v63  }
0x16d: {  	v3 =	vld [tilespmem:$0x390];
	_ =	sdelay $0x4  }
0x16e: {  	v63 =	vshll.u32 v3, $0x3  }
0x16f: {  	v3 =	vand.u32 $0x7, v3;
	v4 =	vand.u32 $0xFFFFFFC0, v63  }
0x170: {  	v3 =	vor.u32 v3, v4  }
0x171: {  	v4 =	vperm.xlane v3, v0;
	_ =	sdelay $0x1  }
0x172: {  	v4 =	vadd.s32 v1, v4;
	_ =	sdelay $0x4  }
0x173: {  	[hbm4b:s4+s3] =	stream.indirect_vreg.scatter [tilespmem:s12], [sflag:$0x4], $0x80, v4, vm0, $0xb8;
	[tilespmem:$0x10400] =	vst v63  }
0x174: {  	v3 =	vperm.xlane v3, v2  }
0x175: {  	[hbm4b:s8+s3] =	stream.indirect_vreg.scatter [tilespmem:s15], [sflag:$0x4], $0x80, v4, vm0, $0xb8;
	[tilespmem:$0x10400] =	vst v63  }
0x176: {  	v3 =	vadd.s32 v1, v3  }
0x177: {  	[hbm4b:s9+s3] =	stream.indirect_vreg.scatter [tilespmem:s29], [sflag:$0x4], $0x80, v4, vm0, $0xb8;
	[tilespmem:$0x10400] =	vst v63  }
0x178: {  	_ = 	snop  }
0x179: {  	[hbm4b:s10+s3] =	stream.indirect_vreg.scatter [tilespmem:s16], [sflag:$0x4], $0x80, v4, vm0, $0xb8;
	[tilespmem:$0x10400] =	vst v63  }
0x17a: {  	_ = 	snop  }
0x17b: {  	[hbm4b:s4+s3] =	stream.indirect_vreg.scatter [tilespmem:s17], [sflag:$0x4], $0x80, v3, vm0, $0xb8;
	[tilespmem:$0x10400] =	vst v63  }
0x17c: {  	_ = 	snop  }
0x17d: {  	[hbm4b:s8+s3] =	stream.indirect_vreg.scatter [tilespmem:s18], [sflag:$0x4], $0x80, v3, vm0, $0xb8;
	[tilespmem:$0x10400] =	vst v63  }
0x17e: {  	_ = 	snop  }
0x17f: {  	[hbm4b:s9+s3] =	stream.indirect_vreg.scatter [tilespmem:s30], [sflag:$0x4], $0x80, v3, vm0, $0xb8;
	[tilespmem:$0x10400] =	vst v63  }
0x180: {  	_ = 	snop  }
0x181: {  	[hbm4b:s10+s3] =	stream.indirect_vreg.scatter [tilespmem:s31], [sflag:$0x4], $0x80, v3, vm0, $0xb8;
	[tilespmem:$0x10400] =	vst v63  }
0x182: {  	p0 =	sne.s32 s26, $0x1;
	_ =	swait.ge [sflag:s11], $0x8000  }
.Ltmp0:
0x183: {  	[sflag:s11] =	ssyncset.done $0x0;
	(pc) =	sbr.rel @p0 .LBB2_1-.Ltmp0, $4  }
0x184: {  	[sflag:s11] =	ssyncadd.s32 $0xFFFF8000  }
0x185: {  	_ =	swait.ge [sflag:s0], $0x8000  }
0x186: {  	[sflag:s0] =	ssyncset.done $0x0  }
0x187: {  	s26 =	sadd.s32 $0xFFFFFFFF, s26;
	[sflag:s0] =	ssyncadd.s32 $0xFFFF8000  }
0x188: {  	_ =	sfence.sel $0x180000  }
0x189: {  	[bflag:$0x0] =	sbarrier.arrive $0xFFFF  }
0x18a: {  	_ =	strace $0x90000047  }
0x18b: {  	s0 =	stileid.u32;
	[bflag:$0x2] =	sbarrier.arrive $0xFFFF  }
0x18c: {  	p0 =	sne.s32 s0, $0x0;
	s0 =	rddreg [dreg:$0x3]  }
0x18d: {  	s0 =	sadd.s32 @!p0 $0x100000, s0  }
0x18e: {  	[sflag:s0] =	ssyncadd.tile.s32 @!p0 $0x1;
	_ =	shalt  }
.Lfunc_end2:
_tile_overlayer_lowered:
.L_overlay_start_2:
0x18f: {  	(tag) =	ssettag $0x2  }
0x190: {  	s0 =	rddreg [dreg:$0x0];
	s2 =	stileid.u32  }
0x191: {  	s1 =	rddreg [dreg:$0x1];
	p0 =	sne.s32 s2, $0x0  }
0x192: {  	s3 =	rddreg [dreg:$0x2];
	[bflag:$0x3] =	sbarrier.arrive $0xFFFF;
	s2 =	simm.s32 @!p0 $0x1C05  }
0x193: {  	[timem:s3], [sflag:s2] =	dma.local @!p0 [hbm:s0], s1  }
0x194: {  	s0 =	simm.s32 @!p0 $0x5  }
0x195: {  	_ =	swait.ge @!p0 [sflag:s0], s1  }
0x196: {  	s1 =	ssub.s32 @!p0 $0x0, s1;
	[sflag:s0] =	ssyncset.done @!p0 $0x0  }
0x197: {  	[sflag:s0] =	ssyncadd.s32 @!p0 s1  }
0x198: {  	[bflag:$0x3] =	sbarrier.arrive $0xFFFF  }
0x199: {  	_ =	shalt  }

</sc_bundles>
